<compile_context>
chip_gen: v7x
topology: tpu7x:2x2x1
jax: 0.10.2.dev20260603
libtpu: 0.0.44.dev20260713+nightly
codegen_flags: <defaults>
</compile_context>

<pallas_src>
import dataclasses

import jax
import jax.numpy as jnp
from jax import lax
from jax.experimental import pallas as pl
from jax.experimental.pallas import tpu as pltpu
from jax.experimental.pallas import tpu_sc as plsc

_N = 10000
_E = 320000
_D_IN = 128
_D_OUT = 128

_NUM_CORES = 2
_NUM_SUBCORES = 16
_NW = _NUM_CORES * _NUM_SUBCORES
_LANES = 16
_EDGE_BLOCK = 1280


def _sc_segment_sum(ei2d, ev2d):
    mesh = plsc.VectorSubcoreMesh(core_axis_name="c", subcore_axis_name="s")
    cp = pltpu.CompilerParams()
    if "needs_layout_passes" in pltpu.CompilerParams.__dataclass_fields__:
        cp = dataclasses.replace(cp, needs_layout_passes=False)

    @pl.kernel(
        out_type=jax.ShapeDtypeStruct((_NW, _N), jnp.float32),
        mesh=mesh,
        scratch_types=[pltpu.VMEM((_N,), jnp.float32)],
        compiler_params=cp,
    )
    def seg_sum_kernel(ei_hbm, ev_hbm, out_hbm, acc):
        @pl.loop(0, _N, step=_LANES, unroll=8)
        def _(i):
            acc.at[pl.ds(i, _LANES)][...] = jnp.zeros((_LANES,), jnp.float32)

        def body(i_vmem, v_vmem):
            @pl.loop(0, _EDGE_BLOCK, step=_LANES, unroll=8)
            def _(c):
                idx = i_vmem.at[0, pl.ds(c, _LANES)][...]
                val = v_vmem.at[0, pl.ds(c, _LANES)][...]
                plsc.addupdate_scatter(acc, [idx], val)

        pltpu.emit_pipeline(
            body,
            grid=(_E // _EDGE_BLOCK,),
            in_specs=[
                pl.BlockSpec((1, _EDGE_BLOCK), lambda i: (1, i)),
                pl.BlockSpec((1, _EDGE_BLOCK), lambda i: (0, i)),
            ],
            out_specs=[],
            core_axis_name=("c", "s"),
            dimension_semantics=(pltpu.PARALLEL,),
        )(ei_hbm, ev_hbm)

        wid = lax.axis_index("s") * _NUM_CORES + lax.axis_index("c")
        pltpu.sync_copy(acc, out_hbm.at[wid])

    return seg_sum_kernel(ei2d, ev2d)


def _tc_body(h_ref, sp_ref, norm_ref, w_ref, b_ref, o_ref):
    ones = jnp.ones((_NW, 1), jnp.float32)
    s = jax.lax.dot_general(
        sp_ref[...], ones, (((0,), (0,)), ((), ())),
        preferred_element_type=jnp.float32)
    x = h_ref[...] * s
    y = jax.lax.dot_general(
        x, w_ref[...], (((1,), (1,)), ((), ())),
        preferred_element_type=jnp.float32)
    o_ref[...] = (y + b_ref[...]) * norm_ref[...]


def _tc_apply(h, s_part, norm, w, b2d):
    return pl.pallas_call(
        _tc_body,
        out_shape=jax.ShapeDtypeStruct((_N, _D_OUT), jnp.float32),
    )(h, s_part, norm, w, b2d)


def kernel(h, e_h, norm, edge_index, W, b):
    ev = e_h.reshape(1, _E)
    return _sc_segment_sum(edge_index, ev)

# --- scband reference (transcript-rebuilt; emitter-appended) ---
"""Pipeline reference for scband-event-message-passing-node-38740605010510 (READ-ONLY COPY).

The authoritative reference and input builder live on the scoring server;
editing this copy changes nothing except your own understanding.
"""

import jax, jax.numpy as jnp
import numpy as np

N = 10000
E = 320000
D_IN = 128
D_OUT = 128


def setup_inputs(seed: int = 0) -> dict:
    key = jax.random.key(seed)
    k1, k2, k3, k4, k5 = jax.random.split(key, 5)
    h = jax.random.normal(k1, (N, D_IN), dtype=jnp.float32)
    e_h = jax.random.uniform(k2, (E, 1), dtype=jnp.float32)
    norm = jax.random.uniform(k3, (N, 1), dtype=jnp.float32)
    edge_index = jax.random.randint(k4, (2, E), 0, N, dtype=jnp.int32)
    # node_nn = nn.Linear(in_hid, out_hid, bias=True)
    W = jax.random.normal(k5, (D_OUT, D_IN), dtype=jnp.float32) * (1.0 / np.sqrt(D_IN))
    b = jnp.zeros((D_OUT,), dtype=jnp.float32)
    return {"h": h, "e_h": e_h, "norm": norm, "edge_index": edge_index, "W": W, "b": b}


def reference(h, e_h, norm, edge_index, W, b):
    # DGL update_all(fn.v_mul_e('h','e_h','m'), fn.sum('m','h'), apply_func)
    # v_mul_e: message on edge e = h[dst(e)] * e_h[e]
    dst = edge_index[1]
    m = h[dst] * e_h  # gather dst node features, scale by edge feature
    agg = jax.ops.segment_sum(m, dst, num_segments=N)  # fn.sum to dst nodes
    # apply_func: node_nn then multiply by per-node norm; dropout is identity in eval; activation=None
    out = agg @ W.T + b
    out = out * norm
    return out

if __name__ == "__main__":
    import jax
    _d = setup_inputs()
    print(jax.jit(kernel)(*tuple(_d.values())))

</pallas_src>

<mosaic_0001>
#map = affine_map<(d0, d1) -> (0, 0)>
module attributes {stable_mosaic.version = 14 : i64} {
  func.func @seg_sum_kernel(%arg0: i32, %arg1: i32, %arg2: memref<2x320000xi32, #tpu.memory_space<hbm>>, %arg3: memref<1x320000xf32, #tpu.memory_space<hbm>>, %arg4: memref<32x10000xf32, #tpu.memory_space<hbm>>, %arg5: memref<10000xf32, #tpu.memory_space<vmem>>) attributes {dimension_semantics = [#tpu.dimension_semantics<core_parallel>, #tpu.dimension_semantics<subcore_parallel>], iteration_bounds = array<i64: 2, 16>, scalar_prefetch = 0 : i64, scratch_operands = 1 : i64, tpu.core_type = #tpu.core_type<sc_vector_subcore>, window_params = [{transform_indices = #map}, {transform_indices = #map}, {transform_indices = #map}]} {
    %scan3A = arith.constant 0 : i32
    %scan3A_0 = arith.constant 624 : i32
    %scan3A_1 = arith.addi %scan3A, %scan3A_0 : i32
    %scan3A_2 = arith.constant 8 : i32
    scf.for %scan3A_32 = %scan3A to %scan3A_1 step %scan3A_2  : i32 {
      %mul3A_33 = arith.constant 16 : i32
      %mul3A_34 = arith.muli %scan3A_32, %mul3A_33 : i32
      %add3A_35 = arith.constant 0 : i32
      %add3A_36 = arith.addi %add3A_35, %mul3A_34 : i32
      %broadcast_in_dim3A_37 = arith.constant 0.000000e+00 : f32
      %broadcast_in_dim3A_38 = vector.broadcast %broadcast_in_dim3A_37 : f32 to vector<16xf32>
      %swap3A_39 = arith.index_cast %add3A_36 : i32 to index
      %swap3A_40 = tpu.vector_load %arg5[%swap3A_39] {strides = array<i32>} : memref<10000xf32, #tpu.memory_space<vmem>>, vector<16xf32>,
      tpu.vector_store %arg5[%swap3A_39], %broadcast_in_dim3A_38 {strides = array<i32>} : memref<10000xf32, #tpu.memory_space<vmem>>, vector<16xf32>,
      %scan3A_41 = arith.constant 1 : i32
      %scan3A_42 = arith.addi %scan3A_32, %scan3A_41 : i32
      %mul3A_43 = arith.constant 16 : i32
      %mul3A_44 = arith.muli %scan3A_42, %mul3A_43 : i32
      %add3A_45 = arith.constant 0 : i32
      %add3A_46 = arith.addi %add3A_45, %mul3A_44 : i32
      %broadcast_in_dim3A_47 = arith.constant 0.000000e+00 : f32
      %broadcast_in_dim3A_48 = vector.broadcast %broadcast_in_dim3A_47 : f32 to vector<16xf32>
      %swap3A_49 = arith.index_cast %add3A_46 : i32 to index
      %swap3A_50 = tpu.vector_load %arg5[%swap3A_49] {strides = array<i32>} : memref<10000xf32, #tpu.memory_space<vmem>>, vector<16xf32>,
      tpu.vector_store %arg5[%swap3A_49], %broadcast_in_dim3A_48 {strides = array<i32>} : memref<10000xf32, #tpu.memory_space<vmem>>, vector<16xf32>,
      %scan3A_51 = arith.constant 2 : i32
      %scan3A_52 = arith.addi %scan3A_32, %scan3A_51 : i32
      %mul3A_53 = arith.constant 16 : i32
      %mul3A_54 = arith.muli %scan3A_52, %mul3A_53 : i32
      %add3A_55 = arith.constant 0 : i32
      %add3A_56 = arith.addi %add3A_55, %mul3A_54 : i32
      %broadcast_in_dim3A_57 = arith.constant 0.000000e+00 : f32
      %broadcast_in_dim3A_58 = vector.broadcast %broadcast_in_dim3A_57 : f32 to vector<16xf32>
      %swap3A_59 = arith.index_cast %add3A_56 : i32 to index
      %swap3A_60 = tpu.vector_load %arg5[%swap3A_59] {strides = array<i32>} : memref<10000xf32, #tpu.memory_space<vmem>>, vector<16xf32>,
      tpu.vector_store %arg5[%swap3A_59], %broadcast_in_dim3A_58 {strides = array<i32>} : memref<10000xf32, #tpu.memory_space<vmem>>, vector<16xf32>,
      %scan3A_61 = arith.constant 3 : i32
      %scan3A_62 = arith.addi %scan3A_32, %scan3A_61 : i32
      %mul3A_63 = arith.constant 16 : i32
      %mul3A_64 = arith.muli %scan3A_62, %mul3A_63 : i32
      %add3A_65 = arith.constant 0 : i32
      %add3A_66 = arith.addi %add3A_65, %mul3A_64 : i32
      %broadcast_in_dim3A_67 = arith.constant 0.000000e+00 : f32
      %broadcast_in_dim3A_68 = vector.broadcast %broadcast_in_dim3A_67 : f32 to vector<16xf32>
      %swap3A_69 = arith.index_cast %add3A_66 : i32 to index
      %swap3A_70 = tpu.vector_load %arg5[%swap3A_69] {strides = array<i32>} : memref<10000xf32, #tpu.memory_space<vmem>>, vector<16xf32>,
      tpu.vector_store %arg5[%swap3A_69], %broadcast_in_dim3A_68 {strides = array<i32>} : memref<10000xf32, #tpu.memory_space<vmem>>, vector<16xf32>,
      %scan3A_71 = arith.constant 4 : i32
      %scan3A_72 = arith.addi %scan3A_32, %scan3A_71 : i32
      %mul3A_73 = arith.constant 16 : i32
      %mul3A_74 = arith.muli %scan3A_72, %mul3A_73 : i32
      %add3A_75 = arith.constant 0 : i32
      %add3A_76 = arith.addi %add3A_75, %mul3A_74 : i32
      %broadcast_in_dim3A_77 = arith.constant 0.000000e+00 : f32
      %broadcast_in_dim3A_78 = vector.broadcast %broadcast_in_dim3A_77 : f32 to vector<16xf32>
      %swap3A_79 = arith.index_cast %add3A_76 : i32 to index
      %swap3A_80 = tpu.vector_load %arg5[%swap3A_79] {strides = array<i32>} : memref<10000xf32, #tpu.memory_space<vmem>>, vector<16xf32>,
      tpu.vector_store %arg5[%swap3A_79], %broadcast_in_dim3A_78 {strides = array<i32>} : memref<10000xf32, #tpu.memory_space<vmem>>, vector<16xf32>,
      %scan3A_81 = arith.constant 5 : i32
      %scan3A_82 = arith.addi %scan3A_32, %scan3A_81 : i32
      %mul3A_83 = arith.constant 16 : i32
      %mul3A_84 = arith.muli %scan3A_82, %mul3A_83 : i32
      %add3A_85 = arith.constant 0 : i32
      %add3A_86 = arith.addi %add3A_85, %mul3A_84 : i32
      %broadcast_in_dim3A_87 = arith.constant 0.000000e+00 : f32
      %broadcast_in_dim3A_88 = vector.broadcast %broadcast_in_dim3A_87 : f32 to vector<16xf32>
      %swap3A_89 = arith.index_cast %add3A_86 : i32 to index
      %swap3A_90 = tpu.vector_load %arg5[%swap3A_89] {strides = array<i32>} : memref<10000xf32, #tpu.memory_space<vmem>>, vector<16xf32>,
      tpu.vector_store %arg5[%swap3A_89], %broadcast_in_dim3A_88 {strides = array<i32>} : memref<10000xf32, #tpu.memory_space<vmem>>, vector<16xf32>,
      %scan3A_91 = arith.constant 6 : i32
      %scan3A_92 = arith.addi %scan3A_32, %scan3A_91 : i32
      %mul3A_93 = arith.constant 16 : i32
      %mul3A_94 = arith.muli %scan3A_92, %mul3A_93 : i32
      %add3A_95 = arith.constant 0 : i32
      %add3A_96 = arith.addi %add3A_95, %mul3A_94 : i32
      %broadcast_in_dim3A_97 = arith.constant 0.000000e+00 : f32
      %broadcast_in_dim3A_98 = vector.broadcast %broadcast_in_dim3A_97 : f32 to vector<16xf32>
      %swap3A_99 = arith.index_cast %add3A_96 : i32 to index
      %swap3A_100 = tpu.vector_load %arg5[%swap3A_99] {strides = array<i32>} : memref<10000xf32, #tpu.memory_space<vmem>>, vector<16xf32>,
      tpu.vector_store %arg5[%swap3A_99], %broadcast_in_dim3A_98 {strides = array<i32>} : memref<10000xf32, #tpu.memory_space<vmem>>, vector<16xf32>,
      %scan3A_101 = arith.constant 7 : i32
      %scan3A_102 = arith.addi %scan3A_32, %scan3A_101 : i32
      %mul3A_103 = arith.constant 16 : i32
      %mul3A_104 = arith.muli %scan3A_102, %mul3A_103 : i32
      %add3A_105 = arith.constant 0 : i32
      %add3A_106 = arith.addi %add3A_105, %mul3A_104 : i32
      %broadcast_in_dim3A_107 = arith.constant 0.000000e+00 : f32
      %broadcast_in_dim3A_108 = vector.broadcast %broadcast_in_dim3A_107 : f32 to vector<16xf32>
      %swap3A_109 = arith.index_cast %add3A_106 : i32 to index
      %swap3A_110 = tpu.vector_load %arg5[%swap3A_109] {strides = array<i32>} : memref<10000xf32, #tpu.memory_space<vmem>>, vector<16xf32>,
      tpu.vector_store %arg5[%swap3A_109], %broadcast_in_dim3A_108 {strides = array<i32>} : memref<10000xf32, #tpu.memory_space<vmem>>, vector<16xf32>,
    }
    %scan3A_3 = arith.constant 624 : i32
    %scan3A_4 = arith.addi %scan3A, %scan3A_3 : i32
    %mul3A = arith.constant 16 : i32
    %mul3A_5 = arith.muli %scan3A_4, %mul3A : i32
    %add3A = arith.constant 0 : i32
    %add3A_6 = arith.addi %add3A, %mul3A_5 : i32
    %broadcast_in_dim3A = arith.constant 0.000000e+00 : f32
    %broadcast_in_dim3A_7 = vector.broadcast %broadcast_in_dim3A : f32 to vector<16xf32>
    %swap3A = arith.index_cast %add3A_6 : i32 to index
    %swap3A_8 = tpu.vector_load %arg5[%swap3A] {strides = array<i32>} : memref<10000xf32, #tpu.memory_space<vmem>>, vector<16xf32>,
    tpu.vector_store %arg5[%swap3A], %broadcast_in_dim3A_7 {strides = array<i32>} : memref<10000xf32, #tpu.memory_space<vmem>>, vector<16xf32>,
    %scan3A_9 = arith.constant 625 : i32
    %mul3A_10 = arith.constant 1 : i32
    %mul3A_11 = arith.muli %arg1, %mul3A_10 : i32
    %add3A_12 = arith.constant 0 : i32
    %add3A_13 = arith.addi %add3A_12, %mul3A_11 : i32
    %mul3A_14 = arith.constant 16 : i32
    %mul3A_15 = arith.muli %arg0, %mul3A_14 : i32
    %add3A_16 = arith.addi %add3A_13, %mul3A_15 : i32
    %lt3A = arith.constant 26 : i32
    %lt3A_17 = arith.cmpi slt, %add3A_16, %lt3A : i32
    %jit3A = arith.constant 8 : i32
    %jit3A_18 = arith.constant 7 : i32
    %select_n3A = arith.select %lt3A_17, %jit3A, %jit3A_18 : i32
    %lt3A_19 = arith.constant 26 : i32
    %lt3A_20 = arith.cmpi slt, %add3A_16, %lt3A_19 : i32
    %mul3A_21 = arith.muli %add3A_16, %select_n3A : i32
    %mul3A_22 = arith.constant 7 : i32
    %mul3A_23 = arith.muli %add3A_16, %mul3A_22 : i32
    %add3A_24 = arith.constant 26 : i32
    %add3A_25 = arith.addi %mul3A_23, %add3A_24 : i32
    %select_n3A_26 = arith.select %lt3A_20, %mul3A_21, %add3A_25 : i32
    %mul3A_27 = arith.constant 1 : i32
    %mul3A_28 = arith.muli %mul3A_27, %select_n3A : i32
    "tpu.region"() ({
      %run_scoped3A = memref.alloca() : memref<2x1x1280xi32, #tpu.memory_space<vmem>>
      %run_scoped3A_32 = tpu.sem_alloc : memref<2x!tpu.dma_semaphore, #tpu.memory_space<semaphore_mem>>
      %run_scoped3A_33 = memref.alloca() : memref<2x1x1280xf32, #tpu.memory_space<vmem>>
      %run_scoped3A_34 = tpu.sem_alloc : memref<2x!tpu.dma_semaphore, #tpu.memory_space<semaphore_mem>>
      %gt3A = arith.constant 0 : i32
      %gt3A_35 = arith.cmpi sgt, %mul3A_28, %gt3A : i32
      %convert_element_type3A = arith.extui %gt3A_35 : i1 to i32
      %cond3A = arith.constant 0 : i32
      %cond3A_36 = arith.cmpi ne, %convert_element_type3A, %cond3A : i32
      scf.if %cond3A_36 {
        %mul3A_37 = arith.constant 1 : i32
        %mul3A_38 = arith.muli %mul3A_37, %select_n3A : i32
        %sub3A = arith.constant 1 : i32
        %sub3A_39 = arith.subi %mul3A_38, %sub3A : i32
        %eq3A = arith.constant 0 : i32
        %eq3A_40 = arith.cmpi eq, %sub3A_39, %eq3A : i32
        %add3A_41 = arith.constant 0 : i32
        %add3A_42 = arith.addi %add3A_41, %select_n3A_26 : i32
        %select_n3A_43 = arith.constant true
        %select_n3A_44 = arith.constant 0 : i32
        %select_n3A_45 = arith.constant -1 : i32
        %select_n3A_46 = arith.select %select_n3A_43, %select_n3A_45, %select_n3A_44 : i32
        %eq3A_47 = arith.constant -1 : i32
        %eq3A_48 = arith.cmpi eq, %select_n3A_46, %eq3A_47 : i32
        %sub3A_49 = arith.constant 1 : i32
        %sub3A_50 = arith.subi %select_n3A, %sub3A_49 : i32
        %select_n3A_51 = arith.select %eq3A_48, %sub3A_50, %select_n3A_46 : i32
        %add3A_52 = arith.addi %select_n3A_51, %select_n3A_26 : i32
        %select_n3A_53 = arith.constant true
        %select_n3A_54 = arith.constant 0 : i32
        %select_n3A_55 = arith.constant 1 : i32
        %select_n3A_56 = arith.select %select_n3A_53, %select_n3A_55, %select_n3A_54 : i32
        %eq3A_57 = arith.cmpi eq, %select_n3A_56, %select_n3A : i32
        %select_n3A_58 = arith.constant 0 : i32
        %select_n3A_59 = arith.select %eq3A_57, %select_n3A_58, %select_n3A_56 : i32
        %add3A_60 = arith.addi %select_n3A_59, %select_n3A_26 : i32
        %add3A_61 = arith.constant 1 : i32
        %add3A_62 = arith.addi %select_n3A_59, %add3A_61 : i32
        %select_n3A_63 = arith.constant true
        %select_n3A_64 = arith.select %select_n3A_63, %add3A_62, %select_n3A_59 : i32
        %eq3A_65 = arith.cmpi eq, %select_n3A_64, %select_n3A : i32
        %select_n3A_66 = arith.constant 0 : i32
        %select_n3A_67 = arith.select %eq3A_65, %select_n3A_66, %select_n3A_64 : i32
        %add3A_68 = arith.addi %select_n3A_67, %select_n3A_26 : i32
        "tpu.trace_start"() <{level = 10 : i32, message = "ep_initialize_0"}> : () -> ()
        %rem3A = arith.constant 0 : i32
        %rem3A_69 = arith.constant 2 : i32
        %rem3A_70 = arith.remui %rem3A, %rem3A_69 : i32
        %mul3A_71 = arith.constant 1280 : i32
        %mul3A_72 = arith.muli %mul3A_71, %add3A_42 : i32
        %dma_start3A = arith.constant 0 : i32
        %dma_start3A_73 = arith.constant 0 : i32
        %dma_start3A_74 = tpu.memref_slice %run_scoped3A[%rem3A_70, %dma_start3A, %dma_start3A_73] : memref<2x1x1280xi32, #tpu.memory_space<vmem>> -> memref<1x1x1280xi32, #tpu.memory_space<vmem>>
        %dma_start3A_75 = tpu.memref_squeeze %dma_start3A_74 : memref<1x1x1280xi32, #tpu.memory_space<vmem>> -> memref<1x1280xi32, #tpu.memory_space<vmem>>
        %dma_start3A_76 = arith.constant 1 : i32
        %dma_start3A_77 = tpu.memref_slice %arg2[%dma_start3A_76, %mul3A_72] : memref<2x320000xi32, #tpu.memory_space<hbm>> -> memref<1x1280xi32, #tpu.memory_space<hbm>>
        %dma_start3A_78 = tpu.memref_slice %run_scoped3A_32[%rem3A_70] : memref<2x!tpu.dma_semaphore, #tpu.memory_space<semaphore_mem>> -> memref<1x!tpu.dma_semaphore, #tpu.memory_space<semaphore_mem>>
        %dma_start3A_79 = tpu.memref_squeeze %dma_start3A_78 : memref<1x!tpu.dma_semaphore, #tpu.memory_space<semaphore_mem>> -> memref<!tpu.dma_semaphore, #tpu.memory_space<semaphore_mem>>
        %dma_start3A_80 = arith.constant 0 : i32
        %dma_start3A_81 = arith.constant 0 : i32
        %dma_start3A_82 = tpu.memref_slice %run_scoped3A[%rem3A_70, %dma_start3A_80, %dma_start3A_81] : memref<2x1x1280xi32, #tpu.memory_space<vmem>> -> memref<1x1x1280xi32, #tpu.memory_space<vmem>>
        %dma_start3A_83 = tpu.memref_squeeze %dma_start3A_82 : memref<1x1x1280xi32, #tpu.memory_space<vmem>> -> memref<1x1280xi32, #tpu.memory_space<vmem>>
        %dma_start3A_84 = arith.constant 1 : i32
        %dma_start3A_85 = tpu.memref_slice %arg2[%dma_start3A_84, %mul3A_72] : memref<2x320000xi32, #tpu.memory_space<hbm>> -> memref<1x1280xi32, #tpu.memory_space<hbm>>
        tpu.enqueue_dma source(%dma_start3A_85 : memref<1x1280xi32, #tpu.memory_space<hbm>>) target(%dma_start3A_83 : memref<1x1280xi32, #tpu.memory_space<vmem>>) target_semaphore(%dma_start3A_79 : memref<!tpu.dma_semaphore, #tpu.memory_space<semaphore_mem>>)
        %add3A_86 = arith.constant 0 : i32
        %add3A_87 = arith.constant 1 : i32
        %add3A_88 = arith.addi %add3A_86, %add3A_87 : i32
        %select_n3A_89 = arith.constant true
        %select_n3A_90 = arith.constant 0 : i32
        %select_n3A_91 = arith.select %select_n3A_89, %add3A_88, %select_n3A_90 : i32
        %rem3A_92 = arith.constant 0 : i32
        %rem3A_93 = arith.constant 2 : i32
        %rem3A_94 = arith.remui %rem3A_92, %rem3A_93 : i32
        %mul3A_95 = arith.constant 1280 : i32
        %mul3A_96 = arith.muli %mul3A_95, %add3A_42 : i32
        %dma_start3A_97 = arith.constant 0 : i32
        %dma_start3A_98 = arith.constant 0 : i32
        %dma_start3A_99 = tpu.memref_slice %run_scoped3A_33[%rem3A_94, %dma_start3A_97, %dma_start3A_98] : memref<2x1x1280xf32, #tpu.memory_space<vmem>> -> memref<1x1x1280xf32, #tpu.memory_space<vmem>>
        %dma_start3A_100 = tpu.memref_squeeze %dma_start3A_99 : memref<1x1x1280xf32, #tpu.memory_space<vmem>> -> memref<1x1280xf32, #tpu.memory_space<vmem>>
        %dma_start3A_101 = arith.constant 0 : i32
        %dma_start3A_102 = tpu.memref_slice %arg3[%dma_start3A_101, %mul3A_96] : memref<1x320000xf32, #tpu.memory_space<hbm>> -> memref<1x1280xf32, #tpu.memory_space<hbm>>
        %dma_start3A_103 = tpu.memref_slice %run_scoped3A_34[%rem3A_94] : memref<2x!tpu.dma_semaphore, #tpu.memory_space<semaphore_mem>> -> memref<1x!tpu.dma_semaphore, #tpu.memory_space<semaphore_mem>>
        %dma_start3A_104 = tpu.memref_squeeze %dma_start3A_103 : memref<1x!tpu.dma_semaphore, #tpu.memory_space<semaphore_mem>> -> memref<!tpu.dma_semaphore, #tpu.memory_space<semaphore_mem>>
        %dma_start3A_105 = arith.constant 0 : i32
        %dma_start3A_106 = arith.constant 0 : i32
        %dma_start3A_107 = tpu.memref_slice %run_scoped3A_33[%rem3A_94, %dma_start3A_105, %dma_start3A_106] : memref<2x1x1280xf32, #tpu.memory_space<vmem>> -> memref<1x1x1280xf32, #tpu.memory_space<vmem>>
        %dma_start3A_108 = tpu.memref_squeeze %dma_start3A_107 : memref<1x1x1280xf32, #tpu.memory_space<vmem>> -> memref<1x1280xf32, #tpu.memory_space<vmem>>
        %dma_start3A_109 = arith.constant 0 : i32
        %dma_start3A_110 = tpu.memref_slice %arg3[%dma_start3A_109, %mul3A_96] : memref<1x320000xf32, #tpu.memory_space<hbm>> -> memref<1x1280xf32, #tpu.memory_space<hbm>>
        tpu.enqueue_dma source(%dma_start3A_110 : memref<1x1280xf32, #tpu.memory_space<hbm>>) target(%dma_start3A_108 : memref<1x1280xf32, #tpu.memory_space<vmem>>) target_semaphore(%dma_start3A_104 : memref<!tpu.dma_semaphore, #tpu.memory_space<semaphore_mem>>)
        %add3A_111 = arith.constant 0 : i32
        %add3A_112 = arith.constant 1 : i32
        %add3A_113 = arith.addi %add3A_111, %add3A_112 : i32
        %select_n3A_114 = arith.constant true
        %select_n3A_115 = arith.constant 0 : i32
        %select_n3A_116 = arith.select %select_n3A_114, %add3A_113, %select_n3A_115 : i32
        %while3A = arith.constant 0 : i32
        %while3A_117 = arith.constant 0 : i32
        %while3A_118 = arith.constant 0 : i32
        %while3A_119 = arith.constant 0 : i32
        "tpu.trace_stop"() : () -> ()
        %while3A_120 = arith.subi %mul3A_28, %while3A : i32
        %while3A_121 = arith.addi %while3A, %while3A_120 : i32
        %while3A_122 = arith.constant 1 : i32
        %while3A_123 = arith.divsi %while3A_120, %while3A_122 : i32
        %while3A_124 = arith.muli %while3A_123, %while3A_122 : i32
        %while3A_125 = arith.addi %while3A, %while3A_124 : i32
        %while3A_126 = arith.constant 1 : i32
        %while3A_127:5 = scf.for %while3A_181 = %while3A to %while3A_125 step %while3A_126 iter_args(%while3A_182 = %select_n3A_91, %while3A_183 = %while3A_117, %while3A_184 = %select_n3A_116, %while3A_185 = %while3A_118, %while3A_186 = %while3A_119) -> (i32, i32, i32, i32, i32)  : i32 {
          %mul3A_187 = arith.constant 1 : i32
          %mul3A_188 = arith.muli %mul3A_187, %select_n3A : i32
          %eq3A_189 = arith.constant 0 : i32
          %eq3A_190 = arith.cmpi eq, %while3A_181, %eq3A_189 : i32
          %sub3A_191 = arith.constant 1 : i32
          %sub3A_192 = arith.subi %mul3A_188, %sub3A_191 : i32
          %eq3A_193 = arith.cmpi eq, %while3A_181, %sub3A_192 : i32
          %add3A_194 = arith.addi %while3A_186, %select_n3A_26 : i32
          %sub3A_195 = arith.constant 1 : i32
          %sub3A_196 = arith.subi %while3A_186, %sub3A_195 : i32
          %select_n3A_197 = arith.constant true
          %select_n3A_198 = arith.select %select_n3A_197, %sub3A_196, %while3A_186 : i32
          %eq3A_199 = arith.constant -1 : i32
          %eq3A_200 = arith.cmpi eq, %select_n3A_198, %eq3A_199 : i32
          %sub3A_201 = arith.constant 1 : i32
          %sub3A_202 = arith.subi %select_n3A, %sub3A_201 : i32
          %select_n3A_203 = arith.select %eq3A_200, %sub3A_202, %select_n3A_198 : i32
          %add3A_204 = arith.addi %select_n3A_203, %select_n3A_26 : i32
          %add3A_205 = arith.constant 1 : i32
          %add3A_206 = arith.addi %while3A_186, %add3A_205 : i32
          %select_n3A_207 = arith.constant true
          %select_n3A_208 = arith.select %select_n3A_207, %add3A_206, %while3A_186 : i32
          %eq3A_209 = arith.cmpi eq, %select_n3A_208, %select_n3A : i32
          %select_n3A_210 = arith.constant 0 : i32
          %select_n3A_211 = arith.select %eq3A_209, %select_n3A_210, %select_n3A_208 : i32
          %add3A_212 = arith.addi %select_n3A_211, %select_n3A_26 : i32
          %add3A_213 = arith.constant 1 : i32
          %add3A_214 = arith.addi %select_n3A_211, %add3A_213 : i32
          %select_n3A_215 = arith.constant true
          %select_n3A_216 = arith.select %select_n3A_215, %add3A_214, %select_n3A_211 : i32
          %eq3A_217 = arith.cmpi eq, %select_n3A_216, %select_n3A : i32
          %select_n3A_218 = arith.constant 0 : i32
          %select_n3A_219 = arith.select %eq3A_217, %select_n3A_218, %select_n3A_216 : i32
          %add3A_220 = arith.addi %select_n3A_219, %select_n3A_26 : i32
          %ne3A = arith.cmpi ne, %add3A_194, %add3A_212 : i32
          %or3A = arith.constant false
          %or3A_221 = arith.ori %or3A, %ne3A : i1
          %sub3A_222 = arith.constant 2 : i32
          %sub3A_223 = arith.subi %mul3A_188, %sub3A_222 : i32
          %add3A_224 = arith.constant 1 : i32
          %add3A_225 = arith.addi %sub3A_223, %add3A_224 : i32
          %ge3A = arith.cmpi sge, %while3A_181, %add3A_225 : i32
          %not3A = arith.constant true
          %not3A_226 = arith.xori %ge3A, %not3A : i1
          %and3A = arith.andi %or3A_221, %not3A_226 : i1
          %convert_element_type3A_227 = arith.extui %and3A : i1 to i32
          %cond3A_228 = arith.constant 0 : i32
          %cond3A_229 = arith.cmpi ne, %convert_element_type3A_227, %cond3A_228 : i32
          scf.if %cond3A_229 {
            "tpu.trace_start"() <{level = 10 : i32, message = "ep_copy_in"}> : () -> ()
            %rem3A_338 = arith.constant 2 : i32
            %rem3A_339 = arith.remui %while3A_182, %rem3A_338 : i32
            %mul3A_340 = arith.constant 1280 : i32
            %mul3A_341 = arith.muli %mul3A_340, %add3A_212 : i32
            %dma_start3A_342 = arith.constant 0 : i32
            %dma_start3A_343 = arith.constant 0 : i32
            %dma_start3A_344 = tpu.memref_slice %run_scoped3A[%rem3A_339, %dma_start3A_342, %dma_start3A_343] : memref<2x1x1280xi32, #tpu.memory_space<vmem>> -> memref<1x1x1280xi32, #tpu.memory_space<vmem>>
            %dma_start3A_345 = tpu.memref_squeeze %dma_start3A_344 : memref<1x1x1280xi32, #tpu.memory_space<vmem>> -> memref<1x1280xi32, #tpu.memory_space<vmem>>
            %dma_start3A_346 = arith.constant 1 : i32
            %dma_start3A_347 = tpu.memref_slice %arg2[%dma_start3A_346, %mul3A_341] : memref<2x320000xi32, #tpu.memory_space<hbm>> -> memref<1x1280xi32, #tpu.memory_space<hbm>>
            %dma_start3A_348 = tpu.memref_slice %run_scoped3A_32[%rem3A_339] : memref<2x!tpu.dma_semaphore, #tpu.memory_space<semaphore_mem>> -> memref<1x!tpu.dma_semaphore, #tpu.memory_space<semaphore_mem>>
            %dma_start3A_349 = tpu.memref_squeeze %dma_start3A_348 : memref<1x!tpu.dma_semaphore, #tpu.memory_space<semaphore_mem>> -> memref<!tpu.dma_semaphore, #tpu.memory_space<semaphore_mem>>
            %dma_start3A_350 = arith.constant 0 : i32
            %dma_start3A_351 = arith.constant 0 : i32
            %dma_start3A_352 = tpu.memref_slice %run_scoped3A[%rem3A_339, %dma_start3A_350, %dma_start3A_351] : memref<2x1x1280xi32, #tpu.memory_space<vmem>> -> memref<1x1x1280xi32, #tpu.memory_space<vmem>>
            %dma_start3A_353 = tpu.memref_squeeze %dma_start3A_352 : memref<1x1x1280xi32, #tpu.memory_space<vmem>> -> memref<1x1280xi32, #tpu.memory_space<vmem>>
            %dma_start3A_354 = arith.constant 1 : i32
            %dma_start3A_355 = tpu.memref_slice %arg2[%dma_start3A_354, %mul3A_341] : memref<2x320000xi32, #tpu.memory_space<hbm>> -> memref<1x1280xi32, #tpu.memory_space<hbm>>
            tpu.enqueue_dma source(%dma_start3A_355 : memref<1x1280xi32, #tpu.memory_space<hbm>>) target(%dma_start3A_353 : memref<1x1280xi32, #tpu.memory_space<vmem>>) target_semaphore(%dma_start3A_349 : memref<!tpu.dma_semaphore, #tpu.memory_space<semaphore_mem>>)
            "tpu.trace_stop"() : () -> ()
          } else {
          }
          %and3A_230 = arith.constant true
          %and3A_231 = arith.andi %and3A, %and3A_230 : i1
          %add3A_232 = arith.constant 1 : i32
          %add3A_233 = arith.addi %while3A_182, %add3A_232 : i32
          %select_n3A_234 = arith.select %and3A_231, %add3A_233, %while3A_182 : i32
          %ne3A_235 = arith.cmpi ne, %add3A_194, %add3A_212 : i32
          %or3A_236 = arith.constant false
          %or3A_237 = arith.ori %or3A_236, %ne3A_235 : i1
          %sub3A_238 = arith.constant 2 : i32
          %sub3A_239 = arith.subi %mul3A_188, %sub3A_238 : i32
          %add3A_240 = arith.constant 1 : i32
          %add3A_241 = arith.addi %sub3A_239, %add3A_240 : i32
          %ge3A_242 = arith.cmpi sge, %while3A_181, %add3A_241 : i32
          %not3A_243 = arith.constant true
          %not3A_244 = arith.xori %ge3A_242, %not3A_243 : i1
          %and3A_245 = arith.andi %or3A_237, %not3A_244 : i1
          %convert_element_type3A_246 = arith.extui %and3A_245 : i1 to i32
          %cond3A_247 = arith.constant 0 : i32
          %cond3A_248 = arith.cmpi ne, %convert_element_type3A_246, %cond3A_247 : i32
          scf.if %cond3A_248 {
            "tpu.trace_start"() <{level = 10 : i32, message = "ep_copy_in"}> : () -> ()
            %rem3A_338 = arith.constant 2 : i32
            %rem3A_339 = arith.remui %while3A_184, %rem3A_338 : i32
            %mul3A_340 = arith.constant 1280 : i32
            %mul3A_341 = arith.muli %mul3A_340, %add3A_212 : i32
            %dma_start3A_342 = arith.constant 0 : i32
            %dma_start3A_343 = arith.constant 0 : i32
            %dma_start3A_344 = tpu.memref_slice %run_scoped3A_33[%rem3A_339, %dma_start3A_342, %dma_start3A_343] : memref<2x1x1280xf32, #tpu.memory_space<vmem>> -> memref<1x1x1280xf32, #tpu.memory_space<vmem>>
            %dma_start3A_345 = tpu.memref_squeeze %dma_start3A_344 : memref<1x1x1280xf32, #tpu.memory_space<vmem>> -> memref<1x1280xf32, #tpu.memory_space<vmem>>
            %dma_start3A_346 = arith.constant 0 : i32
            %dma_start3A_347 = tpu.memref_slice %arg3[%dma_start3A_346, %mul3A_341] : memref<1x320000xf32, #tpu.memory_space<hbm>> -> memref<1x1280xf32, #tpu.memory_space<hbm>>
            %dma_start3A_348 = tpu.memref_slice %run_scoped3A_34[%rem3A_339] : memref<2x!tpu.dma_semaphore, #tpu.memory_space<semaphore_mem>> -> memref<1x!tpu.dma_semaphore, #tpu.memory_space<semaphore_mem>>
            %dma_start3A_349 = tpu.memref_squeeze %dma_start3A_348 : memref<1x!tpu.dma_semaphore, #tpu.memory_space<semaphore_mem>> -> memref<!tpu.dma_semaphore, #tpu.memory_space<semaphore_mem>>
            %dma_start3A_350 = arith.constant 0 : i32
            %dma_start3A_351 = arith.constant 0 : i32
            %dma_start3A_352 = tpu.memref_slice %run_scoped3A_33[%rem3A_339, %dma_start3A_350, %dma_start3A_351] : memref<2x1x1280xf32, #tpu.memory_space<vmem>> -> memref<1x1x1280xf32, #tpu.memory_space<vmem>>
            %dma_start3A_353 = tpu.memref_squeeze %dma_start3A_352 : memref<1x1x1280xf32, #tpu.memory_space<vmem>> -> memref<1x1280xf32, #tpu.memory_space<vmem>>
            %dma_start3A_354 = arith.constant 0 : i32
            %dma_start3A_355 = tpu.memref_slice %arg3[%dma_start3A_354, %mul3A_341] : memref<1x320000xf32, #tpu.memory_space<hbm>> -> memref<1x1280xf32, #tpu.memory_space<hbm>>
            tpu.enqueue_dma source(%dma_start3A_355 : memref<1x1280xf32, #tpu.memory_space<hbm>>) target(%dma_start3A_353 : memref<1x1280xf32, #tpu.memory_space<vmem>>) target_semaphore(%dma_start3A_349 : memref<!tpu.dma_semaphore, #tpu.memory_space<semaphore_mem>>)
            "tpu.trace_stop"() : () -> ()
          } else {
          }
          %and3A_249 = arith.constant true
          %and3A_250 = arith.andi %and3A_245, %and3A_249 : i1
          %add3A_251 = arith.constant 1 : i32
          %add3A_252 = arith.addi %while3A_184, %add3A_251 : i32
          %select_n3A_253 = arith.select %and3A_250, %add3A_252, %while3A_184 : i32
          %ne3A_254 = arith.cmpi ne, %add3A_194, %add3A_204 : i32
          %or3A_255 = arith.constant false
          %or3A_256 = arith.ori %or3A_255, %ne3A_254 : i1
          %or3A_257 = arith.ori %or3A_256, %eq3A_190 : i1
          %convert_element_type3A_258 = arith.extui %or3A_257 : i1 to i32
          %cond3A_259 = arith.constant 0 : i32
          %cond3A_260 = arith.cmpi ne, %convert_element_type3A_258, %cond3A_259 : i32
          scf.if %cond3A_260 {
            "tpu.trace_start"() <{level = 10 : i32, message = "ep_wait_in"}> : () -> ()
            %mul3A_338 = arith.constant 1280 : i32
            %mul3A_339 = arith.muli %mul3A_338, %add3A_194 : i32
            %rem3A_340 = arith.constant 2 : i32
            %rem3A_341 = arith.remui %while3A_183, %rem3A_340 : i32
            %dma_wait3A = arith.constant 0 : i32
            %dma_wait3A_342 = arith.constant 0 : i32
            %dma_wait3A_343 = tpu.memref_slice %run_scoped3A[%rem3A_341, %dma_wait3A, %dma_wait3A_342] : memref<2x1x1280xi32, #tpu.memory_space<vmem>> -> memref<1x1x1280xi32, #tpu.memory_space<vmem>>
            %dma_wait3A_344 = tpu.memref_squeeze %dma_wait3A_343 : memref<1x1x1280xi32, #tpu.memory_space<vmem>> -> memref<1x1280xi32, #tpu.memory_space<vmem>>
            %dma_wait3A_345 = arith.constant 1 : i32
            %dma_wait3A_346 = tpu.memref_slice %arg2[%dma_wait3A_345, %mul3A_339] : memref<2x320000xi32, #tpu.memory_space<hbm>> -> memref<1x1280xi32, #tpu.memory_space<hbm>>
            %dma_wait3A_347 = tpu.memref_slice %run_scoped3A_32[%rem3A_341] : memref<2x!tpu.dma_semaphore, #tpu.memory_space<semaphore_mem>> -> memref<1x!tpu.dma_semaphore, #tpu.memory_space<semaphore_mem>>
            %dma_wait3A_348 = tpu.memref_squeeze %dma_wait3A_347 : memref<1x!tpu.dma_semaphore, #tpu.memory_space<semaphore_mem>> -> memref<!tpu.dma_semaphore, #tpu.memory_space<semaphore_mem>>
            %dma_wait3A_349 = arith.constant 0 : i32
            %dma_wait3A_350 = arith.constant 0 : i32
            %dma_wait3A_351 = tpu.memref_slice %run_scoped3A[%rem3A_341, %dma_wait3A_349, %dma_wait3A_350] : memref<2x1x1280xi32, #tpu.memory_space<vmem>> -> memref<1x1x1280xi32, #tpu.memory_space<vmem>>
            %dma_wait3A_352 = tpu.memref_squeeze %dma_wait3A_351 : memref<1x1x1280xi32, #tpu.memory_space<vmem>> -> memref<1x1280xi32, #tpu.memory_space<vmem>>
            %dma_wait3A_353 = arith.constant 1 : i32
            %dma_wait3A_354 = tpu.memref_slice %arg2[%dma_wait3A_353, %mul3A_339] : memref<2x320000xi32, #tpu.memory_space<hbm>> -> memref<1x1280xi32, #tpu.memory_space<hbm>>
            tpu.wait_dma2 semaphore(%dma_wait3A_348 : memref<!tpu.dma_semaphore, #tpu.memory_space<semaphore_mem>>) src(%dma_wait3A_354 : memref<1x1280xi32, #tpu.memory_space<hbm>>) dst(%dma_wait3A_352 : memref<1x1280xi32, #tpu.memory_space<vmem>>)
            "tpu.trace_stop"() : () -> ()
          } else {
          }
          %ne3A_261 = arith.cmpi ne, %add3A_194, %add3A_204 : i32
          %or3A_262 = arith.constant false
          %or3A_263 = arith.ori %or3A_262, %ne3A_261 : i1
          %or3A_264 = arith.ori %or3A_263, %eq3A_190 : i1
          %convert_element_type3A_265 = arith.extui %or3A_264 : i1 to i32
          %cond3A_266 = arith.constant 0 : i32
          %cond3A_267 = arith.cmpi ne, %convert_element_type3A_265, %cond3A_266 : i32
          scf.if %cond3A_267 {
            "tpu.trace_start"() <{level = 10 : i32, message = "ep_wait_in"}> : () -> ()
            %mul3A_338 = arith.constant 1280 : i32
            %mul3A_339 = arith.muli %mul3A_338, %add3A_194 : i32
            %rem3A_340 = arith.constant 2 : i32
            %rem3A_341 = arith.remui %while3A_185, %rem3A_340 : i32
            %dma_wait3A = arith.constant 0 : i32
            %dma_wait3A_342 = arith.constant 0 : i32
            %dma_wait3A_343 = tpu.memref_slice %run_scoped3A_33[%rem3A_341, %dma_wait3A, %dma_wait3A_342] : memref<2x1x1280xf32, #tpu.memory_space<vmem>> -> memref<1x1x1280xf32, #tpu.memory_space<vmem>>
            %dma_wait3A_344 = tpu.memref_squeeze %dma_wait3A_343 : memref<1x1x1280xf32, #tpu.memory_space<vmem>> -> memref<1x1280xf32, #tpu.memory_space<vmem>>
            %dma_wait3A_345 = arith.constant 0 : i32
            %dma_wait3A_346 = tpu.memref_slice %arg3[%dma_wait3A_345, %mul3A_339] : memref<1x320000xf32, #tpu.memory_space<hbm>> -> memref<1x1280xf32, #tpu.memory_space<hbm>>
            %dma_wait3A_347 = tpu.memref_slice %run_scoped3A_34[%rem3A_341] : memref<2x!tpu.dma_semaphore, #tpu.memory_space<semaphore_mem>> -> memref<1x!tpu.dma_semaphore, #tpu.memory_space<semaphore_mem>>
            %dma_wait3A_348 = tpu.memref_squeeze %dma_wait3A_347 : memref<1x!tpu.dma_semaphore, #tpu.memory_space<semaphore_mem>> -> memref<!tpu.dma_semaphore, #tpu.memory_space<semaphore_mem>>
            %dma_wait3A_349 = arith.constant 0 : i32
            %dma_wait3A_350 = arith.constant 0 : i32
            %dma_wait3A_351 = tpu.memref_slice %run_scoped3A_33[%rem3A_341, %dma_wait3A_349, %dma_wait3A_350] : memref<2x1x1280xf32, #tpu.memory_space<vmem>> -> memref<1x1x1280xf32, #tpu.memory_space<vmem>>
            %dma_wait3A_352 = tpu.memref_squeeze %dma_wait3A_351 : memref<1x1x1280xf32, #tpu.memory_space<vmem>> -> memref<1x1280xf32, #tpu.memory_space<vmem>>
            %dma_wait3A_353 = arith.constant 0 : i32
            %dma_wait3A_354 = tpu.memref_slice %arg3[%dma_wait3A_353, %mul3A_339] : memref<1x320000xf32, #tpu.memory_space<hbm>> -> memref<1x1280xf32, #tpu.memory_space<hbm>>
            tpu.wait_dma2 semaphore(%dma_wait3A_348 : memref<!tpu.dma_semaphore, #tpu.memory_space<semaphore_mem>>) src(%dma_wait3A_354 : memref<1x1280xf32, #tpu.memory_space<hbm>>) dst(%dma_wait3A_352 : memref<1x1280xf32, #tpu.memory_space<vmem>>)
            "tpu.trace_stop"() : () -> ()
          } else {
          }
          %rem3A_268 = arith.constant 2 : i32
          %rem3A_269 = arith.remui %while3A_183, %rem3A_268 : i32
          %rem3A_270 = arith.constant 2 : i32
          %rem3A_271 = arith.remui %while3A_185, %rem3A_270 : i32
          "tpu.trace_start"() <{level = 10 : i32, message = "ep_run_kernel"}> : () -> ()
          %scan3A_272 = arith.constant 0 : i32
          %scan3A_273 = arith.constant 80 : i32
          %scan3A_274 = arith.addi %scan3A_272, %scan3A_273 : i32
          %scan3A_275 = arith.constant 8 : i32
          scf.for %scan3A_338 = %scan3A_272 to %scan3A_274 step %scan3A_275  : i32 {
            %mul3A_339 = arith.constant 16 : i32
            %mul3A_340 = arith.muli %scan3A_338, %mul3A_339 : i32
            %add3A_341 = arith.constant 0 : i32
            %add3A_342 = arith.addi %add3A_341, %mul3A_340 : i32
            %get3A = arith.constant 0 : i32
            %get3A_343 = arith.constant 0 : i32
            %get3A_344 = arith.constant 0 : i32
            %get3A_345 = tpu.memref_slice %run_scoped3A[%rem3A_269, %get3A_343, %get3A_344] : memref<2x1x1280xi32, #tpu.memory_space<vmem>> -> memref<1x1x1280xi32, #tpu.memory_space<vmem>>
            %get3A_346 = tpu.memref_squeeze %get3A_345 : memref<1x1x1280xi32, #tpu.memory_space<vmem>> -> memref<1x1280xi32, #tpu.memory_space<vmem>>
            %get3A_347 = arith.index_cast %get3A : i32 to index
            %get3A_348 = arith.index_cast %add3A_342 : i32 to index
            %get3A_349 = tpu.vector_load %get3A_346[%get3A_347, %get3A_348] {strides = array<i32>} : memref<1x1280xi32, #tpu.memory_space<vmem>>, vector<16xi32>,
            %get3A_350 = arith.constant 0 : i32
            %get3A_351 = arith.constant 0 : i32
            %get3A_352 = arith.constant 0 : i32
            %get3A_353 = tpu.memref_slice %run_scoped3A_33[%rem3A_271, %get3A_351, %get3A_352] : memref<2x1x1280xf32, #tpu.memory_space<vmem>> -> memref<1x1x1280xf32, #tpu.memory_space<vmem>>
            %get3A_354 = tpu.memref_squeeze %get3A_353 : memref<1x1x1280xf32, #tpu.memory_space<vmem>> -> memref<1x1280xf32, #tpu.memory_space<vmem>>
            %get3A_355 = arith.index_cast %get3A_350 : i32 to index
            %get3A_356 = arith.index_cast %add3A_342 : i32 to index
            %get3A_357 = tpu.vector_load %get3A_354[%get3A_355, %get3A_356] {strides = array<i32>} : memref<1x1280xf32, #tpu.memory_space<vmem>>, vector<16xf32>,
            tpu.vector_store_idx %arg5[%get3A_349], %get3A_357 {add = true} : memref<10000xf32, #tpu.memory_space<vmem>>[vector<16xi32>], vector<16xf32>,
            %scan3A_358 = arith.constant 1 : i32
            %scan3A_359 = arith.addi %scan3A_338, %scan3A_358 : i32
            %mul3A_360 = arith.constant 16 : i32
            %mul3A_361 = arith.muli %scan3A_359, %mul3A_360 : i32
            %add3A_362 = arith.constant 0 : i32
            %add3A_363 = arith.addi %add3A_362, %mul3A_361 : i32
            %get3A_364 = arith.constant 0 : i32
            %get3A_365 = arith.constant 0 : i32
            %get3A_366 = arith.constant 0 : i32
            %get3A_367 = tpu.memref_slice %run_scoped3A[%rem3A_269, %get3A_365, %get3A_366] : memref<2x1x1280xi32, #tpu.memory_space<vmem>> -> memref<1x1x1280xi32, #tpu.memory_space<vmem>>
            %get3A_368 = tpu.memref_squeeze %get3A_367 : memref<1x1x1280xi32, #tpu.memory_space<vmem>> -> memref<1x1280xi32, #tpu.memory_space<vmem>>
            %get3A_369 = arith.index_cast %get3A_364 : i32 to index
            %get3A_370 = arith.index_cast %add3A_363 : i32 to index
            %get3A_371 = tpu.vector_load %get3A_368[%get3A_369, %get3A_370] {strides = array<i32>} : memref<1x1280xi32, #tpu.memory_space<vmem>>, vector<16xi32>,
            %get3A_372 = arith.constant 0 : i32
            %get3A_373 = arith.constant 0 : i32
            %get3A_374 = arith.constant 0 : i32
            %get3A_375 = tpu.memref_slice %run_scoped3A_33[%rem3A_271, %get3A_373, %get3A_374] : memref<2x1x1280xf32, #tpu.memory_space<vmem>> -> memref<1x1x1280xf32, #tpu.memory_space<vmem>>
            %get3A_376 = tpu.memref_squeeze %get3A_375 : memref<1x1x1280xf32, #tpu.memory_space<vmem>> -> memref<1x1280xf32, #tpu.memory_space<vmem>>
            %get3A_377 = arith.index_cast %get3A_372 : i32 to index
            %get3A_378 = arith.index_cast %add3A_363 : i32 to index
            %get3A_379 = tpu.vector_load %get3A_376[%get3A_377, %get3A_378] {strides = array<i32>} : memref<1x1280xf32, #tpu.memory_space<vmem>>, vector<16xf32>,
            tpu.vector_store_idx %arg5[%get3A_371], %get3A_379 {add = true} : memref<10000xf32, #tpu.memory_space<vmem>>[vector<16xi32>], vector<16xf32>,
            %scan3A_380 = arith.constant 2 : i32
            %scan3A_381 = arith.addi %scan3A_338, %scan3A_380 : i32
            %mul3A_382 = arith.constant 16 : i32
            %mul3A_383 = arith.muli %scan3A_381, %mul3A_382 : i32
            %add3A_384 = arith.constant 0 : i32
            %add3A_385 = arith.addi %add3A_384, %mul3A_383 : i32
            %get3A_386 = arith.constant 0 : i32
            %get3A_387 = arith.constant 0 : i32
            %get3A_388 = arith.constant 0 : i32
            %get3A_389 = tpu.memref_slice %run_scoped3A[%rem3A_269, %get3A_387, %get3A_388] : memref<2x1x1280xi32, #tpu.memory_space<vmem>> -> memref<1x1x1280xi32, #tpu.memory_space<vmem>>
            %get3A_390 = tpu.memref_squeeze %get3A_389 : memref<1x1x1280xi32, #tpu.memory_space<vmem>> -> memref<1x1280xi32, #tpu.memory_space<vmem>>
            %get3A_391 = arith.index_cast %get3A_386 : i32 to index
            %get3A_392 = arith.index_cast %add3A_385 : i32 to index
            %get3A_393 = tpu.vector_load %get3A_390[%get3A_391, %get3A_392] {strides = array<i32>} : memref<1x1280xi32, #tpu.memory_space<vmem>>, vector<16xi32>,
            %get3A_394 = arith.constant 0 : i32
            %get3A_395 = arith.constant 0 : i32
            %get3A_396 = arith.constant 0 : i32
            %get3A_397 = tpu.memref_slice %run_scoped3A_33[%rem3A_271, %get3A_395, %get3A_396] : memref<2x1x1280xf32, #tpu.memory_space<vmem>> -> memref<1x1x1280xf32, #tpu.memory_space<vmem>>
            %get3A_398 = tpu.memref_squeeze %get3A_397 : memref<1x1x1280xf32, #tpu.memory_space<vmem>> -> memref<1x1280xf32, #tpu.memory_space<vmem>>
            %get3A_399 = arith.index_cast %get3A_394 : i32 to index
            %get3A_400 = arith.index_cast %add3A_385 : i32 to index
            %get3A_401 = tpu.vector_load %get3A_398[%get3A_399, %get3A_400] {strides = array<i32>} : memref<1x1280xf32, #tpu.memory_space<vmem>>, vector<16xf32>,
            tpu.vector_store_idx %arg5[%get3A_393], %get3A_401 {add = true} : memref<10000xf32, #tpu.memory_space<vmem>>[vector<16xi32>], vector<16xf32>,
            %scan3A_402 = arith.constant 3 : i32
            %scan3A_403 = arith.addi %scan3A_338, %scan3A_402 : i32
            %mul3A_404 = arith.constant 16 : i32
            %mul3A_405 = arith.muli %scan3A_403, %mul3A_404 : i32
            %add3A_406 = arith.constant 0 : i32
            %add3A_407 = arith.addi %add3A_406, %mul3A_405 : i32
            %get3A_408 = arith.constant 0 : i32
            %get3A_409 = arith.constant 0 : i32
            %get3A_410 = arith.constant 0 : i32
            %get3A_411 = tpu.memref_slice %run_scoped3A[%rem3A_269, %get3A_409, %get3A_410] : memref<2x1x1280xi32, #tpu.memory_space<vmem>> -> memref<1x1x1280xi32, #tpu.memory_space<vmem>>
            %get3A_412 = tpu.memref_squeeze %get3A_411 : memref<1x1x1280xi32, #tpu.memory_space<vmem>> -> memref<1x1280xi32, #tpu.memory_space<vmem>>
            %get3A_413 = arith.index_cast %get3A_408 : i32 to index
            %get3A_414 = arith.index_cast %add3A_407 : i32 to index
            %get3A_415 = tpu.vector_load %get3A_412[%get3A_413, %get3A_414] {strides = array<i32>} : memref<1x1280xi32, #tpu.memory_space<vmem>>, vector<16xi32>,
            %get3A_416 = arith.constant 0 : i32
            %get3A_417 = arith.constant 0 : i32
            %get3A_418 = arith.constant 0 : i32
            %get3A_419 = tpu.memref_slice %run_scoped3A_33[%rem3A_271, %get3A_417, %get3A_418] : memref<2x1x1280xf32, #tpu.memory_space<vmem>> -> memref<1x1x1280xf32, #tpu.memory_space<vmem>>
            %get3A_420 = tpu.memref_squeeze %get3A_419 : memref<1x1x1280xf32, #tpu.memory_space<vmem>> -> memref<1x1280xf32, #tpu.memory_space<vmem>>
            %get3A_421 = arith.index_cast %get3A_416 : i32 to index
            %get3A_422 = arith.index_cast %add3A_407 : i32 to index
            %get3A_423 = tpu.vector_load %get3A_420[%get3A_421, %get3A_422] {strides = array<i32>} : memref<1x1280xf32, #tpu.memory_space<vmem>>, vector<16xf32>,
            tpu.vector_store_idx %arg5[%get3A_415], %get3A_423 {add = true} : memref<10000xf32, #tpu.memory_space<vmem>>[vector<16xi32>], vector<16xf32>,
            %scan3A_424 = arith.constant 4 : i32
            %scan3A_425 = arith.addi %scan3A_338, %scan3A_424 : i32
            %mul3A_426 = arith.constant 16 : i32
            %mul3A_427 = arith.muli %scan3A_425, %mul3A_426 : i32
            %add3A_428 = arith.constant 0 : i32
            %add3A_429 = arith.addi %add3A_428, %mul3A_427 : i32
            %get3A_430 = arith.constant 0 : i32
            %get3A_431 = arith.constant 0 : i32
            %get3A_432 = arith.constant 0 : i32
            %get3A_433 = tpu.memref_slice %run_scoped3A[%rem3A_269, %get3A_431, %get3A_432] : memref<2x1x1280xi32, #tpu.memory_space<vmem>> -> memref<1x1x1280xi32, #tpu.memory_space<vmem>>
            %get3A_434 = tpu.memref_squeeze %get3A_433 : memref<1x1x1280xi32, #tpu.memory_space<vmem>> -> memref<1x1280xi32, #tpu.memory_space<vmem>>
            %get3A_435 = arith.index_cast %get3A_430 : i32 to index
            %get3A_436 = arith.index_cast %add3A_429 : i32 to index
            %get3A_437 = tpu.vector_load %get3A_434[%get3A_435, %get3A_436] {strides = array<i32>} : memref<1x1280xi32, #tpu.memory_space<vmem>>, vector<16xi32>,
            %get3A_438 = arith.constant 0 : i32
            %get3A_439 = arith.constant 0 : i32
            %get3A_440 = arith.constant 0 : i32
            %get3A_441 = tpu.memref_slice %run_scoped3A_33[%rem3A_271, %get3A_439, %get3A_440] : memref<2x1x1280xf32, #tpu.memory_space<vmem>> -> memref<1x1x1280xf32, #tpu.memory_space<vmem>>
            %get3A_442 = tpu.memref_squeeze %get3A_441 : memref<1x1x1280xf32, #tpu.memory_space<vmem>> -> memref<1x1280xf32, #tpu.memory_space<vmem>>
            %get3A_443 = arith.index_cast %get3A_438 : i32 to index
            %get3A_444 = arith.index_cast %add3A_429 : i32 to index
            %get3A_445 = tpu.vector_load %get3A_442[%get3A_443, %get3A_444] {strides = array<i32>} : memref<1x1280xf32, #tpu.memory_space<vmem>>, vector<16xf32>,
            tpu.vector_store_idx %arg5[%get3A_437], %get3A_445 {add = true} : memref<10000xf32, #tpu.memory_space<vmem>>[vector<16xi32>], vector<16xf32>,
            %scan3A_446 = arith.constant 5 : i32
            %scan3A_447 = arith.addi %scan3A_338, %scan3A_446 : i32
            %mul3A_448 = arith.constant 16 : i32
            %mul3A_449 = arith.muli %scan3A_447, %mul3A_448 : i32
            %add3A_450 = arith.constant 0 : i32
            %add3A_451 = arith.addi %add3A_450, %mul3A_449 : i32
            %get3A_452 = arith.constant 0 : i32
            %get3A_453 = arith.constant 0 : i32
            %get3A_454 = arith.constant 0 : i32
            %get3A_455 = tpu.memref_slice %run_scoped3A[%rem3A_269, %get3A_453, %get3A_454] : memref<2x1x1280xi32, #tpu.memory_space<vmem>> -> memref<1x1x1280xi32, #tpu.memory_space<vmem>>
            %get3A_456 = tpu.memref_squeeze %get3A_455 : memref<1x1x1280xi32, #tpu.memory_space<vmem>> -> memref<1x1280xi32, #tpu.memory_space<vmem>>
            %get3A_457 = arith.index_cast %get3A_452 : i32 to index
            %get3A_458 = arith.index_cast %add3A_451 : i32 to index
            %get3A_459 = tpu.vector_load %get3A_456[%get3A_457, %get3A_458] {strides = array<i32>} : memref<1x1280xi32, #tpu.memory_space<vmem>>, vector<16xi32>,
            %get3A_460 = arith.constant 0 : i32
            %get3A_461 = arith.constant 0 : i32
            %get3A_462 = arith.constant 0 : i32
            %get3A_463 = tpu.memref_slice %run_scoped3A_33[%rem3A_271, %get3A_461, %get3A_462] : memref<2x1x1280xf32, #tpu.memory_space<vmem>> -> memref<1x1x1280xf32, #tpu.memory_space<vmem>>
            %get3A_464 = tpu.memref_squeeze %get3A_463 : memref<1x1x1280xf32, #tpu.memory_space<vmem>> -> memref<1x1280xf32, #tpu.memory_space<vmem>>
            %get3A_465 = arith.index_cast %get3A_460 : i32 to index
            %get3A_466 = arith.index_cast %add3A_451 : i32 to index
            %get3A_467 = tpu.vector_load %get3A_464[%get3A_465, %get3A_466] {strides = array<i32>} : memref<1x1280xf32, #tpu.memory_space<vmem>>, vector<16xf32>,
            tpu.vector_store_idx %arg5[%get3A_459], %get3A_467 {add = true} : memref<10000xf32, #tpu.memory_space<vmem>>[vector<16xi32>], vector<16xf32>,
            %scan3A_468 = arith.constant 6 : i32
            %scan3A_469 = arith.addi %scan3A_338, %scan3A_468 : i32
            %mul3A_470 = arith.constant 16 : i32
            %mul3A_471 = arith.muli %scan3A_469, %mul3A_470 : i32
            %add3A_472 = arith.constant 0 : i32
            %add3A_473 = arith.addi %add3A_472, %mul3A_471 : i32
            %get3A_474 = arith.constant 0 : i32
            %get3A_475 = arith.constant 0 : i32
            %get3A_476 = arith.constant 0 : i32
            %get3A_477 = tpu.memref_slice %run_scoped3A[%rem3A_269, %get3A_475, %get3A_476] : memref<2x1x1280xi32, #tpu.memory_space<vmem>> -> memref<1x1x1280xi32, #tpu.memory_space<vmem>>
            %get3A_478 = tpu.memref_squeeze %get3A_477 : memref<1x1x1280xi32, #tpu.memory_space<vmem>> -> memref<1x1280xi32, #tpu.memory_space<vmem>>
            %get3A_479 = arith.index_cast %get3A_474 : i32 to index
            %get3A_480 = arith.index_cast %add3A_473 : i32 to index
            %get3A_481 = tpu.vector_load %get3A_478[%get3A_479, %get3A_480] {strides = array<i32>} : memref<1x1280xi32, #tpu.memory_space<vmem>>, vector<16xi32>,
            %get3A_482 = arith.constant 0 : i32
            %get3A_483 = arith.constant 0 : i32
            %get3A_484 = arith.constant 0 : i32
            %get3A_485 = tpu.memref_slice %run_scoped3A_33[%rem3A_271, %get3A_483, %get3A_484] : memref<2x1x1280xf32, #tpu.memory_space<vmem>> -> memref<1x1x1280xf32, #tpu.memory_space<vmem>>
            %get3A_486 = tpu.memref_squeeze %get3A_485 : memref<1x1x1280xf32, #tpu.memory_space<vmem>> -> memref<1x1280xf32, #tpu.memory_space<vmem>>
            %get3A_487 = arith.index_cast %get3A_482 : i32 to index
            %get3A_488 = arith.index_cast %add3A_473 : i32 to index
            %get3A_489 = tpu.vector_load %get3A_486[%get3A_487, %get3A_488] {strides = array<i32>} : memref<1x1280xf32, #tpu.memory_space<vmem>>, vector<16xf32>,
            tpu.vector_store_idx %arg5[%get3A_481], %get3A_489 {add = true} : memref<10000xf32, #tpu.memory_space<vmem>>[vector<16xi32>], vector<16xf32>,
            %scan3A_490 = arith.constant 7 : i32
            %scan3A_491 = arith.addi %scan3A_338, %scan3A_490 : i32
            %mul3A_492 = arith.constant 16 : i32
            %mul3A_493 = arith.muli %scan3A_491, %mul3A_492 : i32
            %add3A_494 = arith.constant 0 : i32
            %add3A_495 = arith.addi %add3A_494, %mul3A_493 : i32
            %get3A_496 = arith.constant 0 : i32
            %get3A_497 = arith.constant 0 : i32
            %get3A_498 = arith.constant 0 : i32
            %get3A_499 = tpu.memref_slice %run_scoped3A[%rem3A_269, %get3A_497, %get3A_498] : memref<2x1x1280xi32, #tpu.memory_space<vmem>> -> memref<1x1x1280xi32, #tpu.memory_space<vmem>>
            %get3A_500 = tpu.memref_squeeze %get3A_499 : memref<1x1x1280xi32, #tpu.memory_space<vmem>> -> memref<1x1280xi32, #tpu.memory_space<vmem>>
            %get3A_501 = arith.index_cast %get3A_496 : i32 to index
            %get3A_502 = arith.index_cast %add3A_495 : i32 to index
            %get3A_503 = tpu.vector_load %get3A_500[%get3A_501, %get3A_502] {strides = array<i32>} : memref<1x1280xi32, #tpu.memory_space<vmem>>, vector<16xi32>,
            %get3A_504 = arith.constant 0 : i32
            %get3A_505 = arith.constant 0 : i32
            %get3A_506 = arith.constant 0 : i32
            %get3A_507 = tpu.memref_slice %run_scoped3A_33[%rem3A_271, %get3A_505, %get3A_506] : memref<2x1x1280xf32, #tpu.memory_space<vmem>> -> memref<1x1x1280xf32, #tpu.memory_space<vmem>>
            %get3A_508 = tpu.memref_squeeze %get3A_507 : memref<1x1x1280xf32, #tpu.memory_space<vmem>> -> memref<1x1280xf32, #tpu.memory_space<vmem>>
            %get3A_509 = arith.index_cast %get3A_504 : i32 to index
            %get3A_510 = arith.index_cast %add3A_495 : i32 to index
            %get3A_511 = tpu.vector_load %get3A_508[%get3A_509, %get3A_510] {strides = array<i32>} : memref<1x1280xf32, #tpu.memory_space<vmem>>, vector<16xf32>,
            tpu.vector_store_idx %arg5[%get3A_503], %get3A_511 {add = true} : memref<10000xf32, #tpu.memory_space<vmem>>[vector<16xi32>], vector<16xf32>,
          }
          %scan3A_276 = arith.constant 80 : i32
          "tpu.trace_stop"() : () -> ()
          %ne3A_277 = arith.cmpi ne, %add3A_194, %add3A_212 : i32
          %or3A_278 = arith.constant false
          %or3A_279 = arith.ori %or3A_278, %ne3A_277 : i1
          %or3A_280 = arith.ori %or3A_279, %eq3A_193 : i1
          %convert_element_type3A_281 = arith.extui %or3A_280 : i1 to i32
          %cond3A_282 = arith.constant 0 : i32
          %cond3A_283 = arith.cmpi ne, %convert_element_type3A_281, %cond3A_282 : i32
          scf.if %cond3A_283 {
          } else {
          }
          %and3A_284 = arith.constant false
          %and3A_285 = arith.andi %or3A_280, %and3A_284 : i1
          %ne3A_286 = arith.cmpi ne, %add3A_194, %add3A_212 : i32
          %or3A_287 = arith.constant false
          %or3A_288 = arith.ori %or3A_287, %ne3A_286 : i1
          %or3A_289 = arith.ori %or3A_288, %eq3A_193 : i1
          %convert_element_type3A_290 = arith.extui %or3A_289 : i1 to i32
          %cond3A_291 = arith.constant 0 : i32
          %cond3A_292 = arith.cmpi ne, %convert_element_type3A_290, %cond3A_291 : i32
          scf.if %cond3A_292 {
          } else {
          }
          %and3A_293 = arith.constant false
          %and3A_294 = arith.andi %or3A_289, %and3A_293 : i1
          %ne3A_295 = arith.cmpi ne, %add3A_194, %add3A_204 : i32
          %or3A_296 = arith.constant false
          %or3A_297 = arith.ori %or3A_296, %ne3A_295 : i1
          %not3A_298 = arith.constant true
          %not3A_299 = arith.xori %eq3A_190, %not3A_298 : i1
          %and3A_300 = arith.andi %or3A_297, %not3A_299 : i1
          %convert_element_type3A_301 = arith.extui %and3A_300 : i1 to i32
          %cond3A_302 = arith.constant 0 : i32
          %cond3A_303 = arith.cmpi ne, %convert_element_type3A_301, %cond3A_302 : i32
          scf.if %cond3A_303 {
          } else {
          }
          %and3A_304 = arith.constant false
          %and3A_305 = arith.andi %and3A_300, %and3A_304 : i1
          %ne3A_306 = arith.cmpi ne, %add3A_194, %add3A_204 : i32
          %or3A_307 = arith.constant false
          %or3A_308 = arith.ori %or3A_307, %ne3A_306 : i1
          %not3A_309 = arith.constant true
          %not3A_310 = arith.xori %eq3A_190, %not3A_309 : i1
          %and3A_311 = arith.andi %or3A_308, %not3A_310 : i1
          %convert_element_type3A_312 = arith.extui %and3A_311 : i1 to i32
          %cond3A_313 = arith.constant 0 : i32
          %cond3A_314 = arith.cmpi ne, %convert_element_type3A_312, %cond3A_313 : i32
          scf.if %cond3A_314 {
          } else {
          }
          %and3A_315 = arith.constant false
          %and3A_316 = arith.andi %and3A_311, %and3A_315 : i1
          %ne3A_317 = arith.cmpi ne, %add3A_194, %add3A_212 : i32
          %or3A_318 = arith.constant false
          %or3A_319 = arith.ori %or3A_318, %ne3A_317 : i1
          %or3A_320 = arith.ori %or3A_319, %eq3A_193 : i1
          %add3A_321 = arith.constant 1 : i32
          %add3A_322 = arith.addi %while3A_183, %add3A_321 : i32
          %select_n3A_323 = arith.select %or3A_320, %add3A_322, %while3A_183 : i32
          %ne3A_324 = arith.cmpi ne, %add3A_194, %add3A_212 : i32
          %or3A_325 = arith.constant false
          %or3A_326 = arith.ori %or3A_325, %ne3A_324 : i1
          %or3A_327 = arith.ori %or3A_326, %eq3A_193 : i1
          %add3A_328 = arith.constant 1 : i32
          %add3A_329 = arith.addi %while3A_185, %add3A_328 : i32
          %select_n3A_330 = arith.select %or3A_327, %add3A_329, %while3A_185 : i32
          %add3A_331 = arith.constant 1 : i32
          %add3A_332 = arith.addi %while3A_186, %add3A_331 : i32
          %select_n3A_333 = arith.constant true
          %select_n3A_334 = arith.select %select_n3A_333, %add3A_332, %while3A_186 : i32
          %eq3A_335 = arith.cmpi eq, %select_n3A_334, %select_n3A : i32
          %select_n3A_336 = arith.constant 0 : i32
          %select_n3A_337 = arith.select %eq3A_335, %select_n3A_336, %select_n3A_334 : i32
          scf.yield %select_n3A_234, %select_n3A_323, %select_n3A_253, %select_n3A_330, %select_n3A_337 : i32, i32, i32, i32, i32
        }
        %while3A_128 = arith.constant 1 : i32
        %while3A_129:5 = scf.for %while3A_181 = %while3A_125 to %while3A_121 step %while3A_128 iter_args(%while3A_182 = %while3A_127#0, %while3A_183 = %while3A_127#1, %while3A_184 = %while3A_127#2, %while3A_185 = %while3A_127#3, %while3A_186 = %while3A_127#4) -> (i32, i32, i32, i32, i32)  : i32 {
          %mul3A_187 = arith.constant 1 : i32
          %mul3A_188 = arith.muli %mul3A_187, %select_n3A : i32
          %eq3A_189 = arith.constant 0 : i32
          %eq3A_190 = arith.cmpi eq, %while3A_181, %eq3A_189 : i32
          %sub3A_191 = arith.constant 1 : i32
          %sub3A_192 = arith.subi %mul3A_188, %sub3A_191 : i32
          %eq3A_193 = arith.cmpi eq, %while3A_181, %sub3A_192 : i32
          %add3A_194 = arith.addi %while3A_186, %select_n3A_26 : i32
          %sub3A_195 = arith.constant 1 : i32
          %sub3A_196 = arith.subi %while3A_186, %sub3A_195 : i32
          %select_n3A_197 = arith.constant true
          %select_n3A_198 = arith.select %select_n3A_197, %sub3A_196, %while3A_186 : i32
          %eq3A_199 = arith.constant -1 : i32
          %eq3A_200 = arith.cmpi eq, %select_n3A_198, %eq3A_199 : i32
          %sub3A_201 = arith.constant 1 : i32
          %sub3A_202 = arith.subi %select_n3A, %sub3A_201 : i32
          %select_n3A_203 = arith.select %eq3A_200, %sub3A_202, %select_n3A_198 : i32
          %add3A_204 = arith.addi %select_n3A_203, %select_n3A_26 : i32
          %add3A_205 = arith.constant 1 : i32
          %add3A_206 = arith.addi %while3A_186, %add3A_205 : i32
          %select_n3A_207 = arith.constant true
          %select_n3A_208 = arith.select %select_n3A_207, %add3A_206, %while3A_186 : i32
          %eq3A_209 = arith.cmpi eq, %select_n3A_208, %select_n3A : i32
          %select_n3A_210 = arith.constant 0 : i32
          %select_n3A_211 = arith.select %eq3A_209, %select_n3A_210, %select_n3A_208 : i32
          %add3A_212 = arith.addi %select_n3A_211, %select_n3A_26 : i32
          %add3A_213 = arith.constant 1 : i32
          %add3A_214 = arith.addi %select_n3A_211, %add3A_213 : i32
          %select_n3A_215 = arith.constant true
          %select_n3A_216 = arith.select %select_n3A_215, %add3A_214, %select_n3A_211 : i32
          %eq3A_217 = arith.cmpi eq, %select_n3A_216, %select_n3A : i32
          %select_n3A_218 = arith.constant 0 : i32
          %select_n3A_219 = arith.select %eq3A_217, %select_n3A_218, %select_n3A_216 : i32
          %add3A_220 = arith.addi %select_n3A_219, %select_n3A_26 : i32
          %ne3A = arith.cmpi ne, %add3A_194, %add3A_212 : i32
          %or3A = arith.constant false
          %or3A_221 = arith.ori %or3A, %ne3A : i1
          %sub3A_222 = arith.constant 2 : i32
          %sub3A_223 = arith.subi %mul3A_188, %sub3A_222 : i32
          %add3A_224 = arith.constant 1 : i32
          %add3A_225 = arith.addi %sub3A_223, %add3A_224 : i32
          %ge3A = arith.cmpi sge, %while3A_181, %add3A_225 : i32
          %not3A = arith.constant true
          %not3A_226 = arith.xori %ge3A, %not3A : i1
          %and3A = arith.andi %or3A_221, %not3A_226 : i1
          %convert_element_type3A_227 = arith.extui %and3A : i1 to i32
          %cond3A_228 = arith.constant 0 : i32
          %cond3A_229 = arith.cmpi ne, %convert_element_type3A_227, %cond3A_228 : i32
          scf.if %cond3A_229 {
            "tpu.trace_start"() <{level = 10 : i32, message = "ep_copy_in"}> : () -> ()
            %rem3A_338 = arith.constant 2 : i32
            %rem3A_339 = arith.remui %while3A_182, %rem3A_338 : i32
            %mul3A_340 = arith.constant 1280 : i32
            %mul3A_341 = arith.muli %mul3A_340, %add3A_212 : i32
            %dma_start3A_342 = arith.constant 0 : i32
            %dma_start3A_343 = arith.constant 0 : i32
            %dma_start3A_344 = tpu.memref_slice %run_scoped3A[%rem3A_339, %dma_start3A_342, %dma_start3A_343] : memref<2x1x1280xi32, #tpu.memory_space<vmem>> -> memref<1x1x1280xi32, #tpu.memory_space<vmem>>
            %dma_start3A_345 = tpu.memref_squeeze %dma_start3A_344 : memref<1x1x1280xi32, #tpu.memory_space<vmem>> -> memref<1x1280xi32, #tpu.memory_space<vmem>>
            %dma_start3A_346 = arith.constant 1 : i32
            %dma_start3A_347 = tpu.memref_slice %arg2[%dma_start3A_346, %mul3A_341] : memref<2x320000xi32, #tpu.memory_space<hbm>> -> memref<1x1280xi32, #tpu.memory_space<hbm>>
            %dma_start3A_348 = tpu.memref_slice %run_scoped3A_32[%rem3A_339] : memref<2x!tpu.dma_semaphore, #tpu.memory_space<semaphore_mem>> -> memref<1x!tpu.dma_semaphore, #tpu.memory_space<semaphore_mem>>
            %dma_start3A_349 = tpu.memref_squeeze %dma_start3A_348 : memref<1x!tpu.dma_semaphore, #tpu.memory_space<semaphore_mem>> -> memref<!tpu.dma_semaphore, #tpu.memory_space<semaphore_mem>>
            %dma_start3A_350 = arith.constant 0 : i32
            %dma_start3A_351 = arith.constant 0 : i32
            %dma_start3A_352 = tpu.memref_slice %run_scoped3A[%rem3A_339, %dma_start3A_350, %dma_start3A_351] : memref<2x1x1280xi32, #tpu.memory_space<vmem>> -> memref<1x1x1280xi32, #tpu.memory_space<vmem>>
            %dma_start3A_353 = tpu.memref_squeeze %dma_start3A_352 : memref<1x1x1280xi32, #tpu.memory_space<vmem>> -> memref<1x1280xi32, #tpu.memory_space<vmem>>
            %dma_start3A_354 = arith.constant 1 : i32
            %dma_start3A_355 = tpu.memref_slice %arg2[%dma_start3A_354, %mul3A_341] : memref<2x320000xi32, #tpu.memory_space<hbm>> -> memref<1x1280xi32, #tpu.memory_space<hbm>>
            tpu.enqueue_dma source(%dma_start3A_355 : memref<1x1280xi32, #tpu.memory_space<hbm>>) target(%dma_start3A_353 : memref<1x1280xi32, #tpu.memory_space<vmem>>) target_semaphore(%dma_start3A_349 : memref<!tpu.dma_semaphore, #tpu.memory_space<semaphore_mem>>)
            "tpu.trace_stop"() : () -> ()
          } else {
          }
          %and3A_230 = arith.constant true
          %and3A_231 = arith.andi %and3A, %and3A_230 : i1
          %add3A_232 = arith.constant 1 : i32
          %add3A_233 = arith.addi %while3A_182, %add3A_232 : i32
          %select_n3A_234 = arith.select %and3A_231, %add3A_233, %while3A_182 : i32
          %ne3A_235 = arith.cmpi ne, %add3A_194, %add3A_212 : i32
          %or3A_236 = arith.constant false
          %or3A_237 = arith.ori %or3A_236, %ne3A_235 : i1
          %sub3A_238 = arith.constant 2 : i32
          %sub3A_239 = arith.subi %mul3A_188, %sub3A_238 : i32
          %add3A_240 = arith.constant 1 : i32
          %add3A_241 = arith.addi %sub3A_239, %add3A_240 : i32
          %ge3A_242 = arith.cmpi sge, %while3A_181, %add3A_241 : i32
          %not3A_243 = arith.constant true
          %not3A_244 = arith.xori %ge3A_242, %not3A_243 : i1
          %and3A_245 = arith.andi %or3A_237, %not3A_244 : i1
          %convert_element_type3A_246 = arith.extui %and3A_245 : i1 to i32
          %cond3A_247 = arith.constant 0 : i32
          %cond3A_248 = arith.cmpi ne, %convert_element_type3A_246, %cond3A_247 : i32
          scf.if %cond3A_248 {
            "tpu.trace_start"() <{level = 10 : i32, message = "ep_copy_in"}> : () -> ()
            %rem3A_338 = arith.constant 2 : i32
            %rem3A_339 = arith.remui %while3A_184, %rem3A_338 : i32
            %mul3A_340 = arith.constant 1280 : i32
            %mul3A_341 = arith.muli %mul3A_340, %add3A_212 : i32
            %dma_start3A_342 = arith.constant 0 : i32
            %dma_start3A_343 = arith.constant 0 : i32
            %dma_start3A_344 = tpu.memref_slice %run_scoped3A_33[%rem3A_339, %dma_start3A_342, %dma_start3A_343] : memref<2x1x1280xf32, #tpu.memory_space<vmem>> -> memref<1x1x1280xf32, #tpu.memory_space<vmem>>
            %dma_start3A_345 = tpu.memref_squeeze %dma_start3A_344 : memref<1x1x1280xf32, #tpu.memory_space<vmem>> -> memref<1x1280xf32, #tpu.memory_space<vmem>>
            %dma_start3A_346 = arith.constant 0 : i32
            %dma_start3A_347 = tpu.memref_slice %arg3[%dma_start3A_346, %mul3A_341] : memref<1x320000xf32, #tpu.memory_space<hbm>> -> memref<1x1280xf32, #tpu.memory_space<hbm>>
            %dma_start3A_348 = tpu.memref_slice %run_scoped3A_34[%rem3A_339] : memref<2x!tpu.dma_semaphore, #tpu.memory_space<semaphore_mem>> -> memref<1x!tpu.dma_semaphore, #tpu.memory_space<semaphore_mem>>
            %dma_start3A_349 = tpu.memref_squeeze %dma_start3A_348 : memref<1x!tpu.dma_semaphore, #tpu.memory_space<semaphore_mem>> -> memref<!tpu.dma_semaphore, #tpu.memory_space<semaphore_mem>>
            %dma_start3A_350 = arith.constant 0 : i32
            %dma_start3A_351 = arith.constant 0 : i32
            %dma_start3A_352 = tpu.memref_slice %run_scoped3A_33[%rem3A_339, %dma_start3A_350, %dma_start3A_351] : memref<2x1x1280xf32, #tpu.memory_space<vmem>> -> memref<1x1x1280xf32, #tpu.memory_space<vmem>>
            %dma_start3A_353 = tpu.memref_squeeze %dma_start3A_352 : memref<1x1x1280xf32, #tpu.memory_space<vmem>> -> memref<1x1280xf32, #tpu.memory_space<vmem>>
            %dma_start3A_354 = arith.constant 0 : i32
            %dma_start3A_355 = tpu.memref_slice %arg3[%dma_start3A_354, %mul3A_341] : memref<1x320000xf32, #tpu.memory_space<hbm>> -> memref<1x1280xf32, #tpu.memory_space<hbm>>
            tpu.enqueue_dma source(%dma_start3A_355 : memref<1x1280xf32, #tpu.memory_space<hbm>>) target(%dma_start3A_353 : memref<1x1280xf32, #tpu.memory_space<vmem>>) target_semaphore(%dma_start3A_349 : memref<!tpu.dma_semaphore, #tpu.memory_space<semaphore_mem>>)
            "tpu.trace_stop"() : () -> ()
          } else {
          }
          %and3A_249 = arith.constant true
          %and3A_250 = arith.andi %and3A_245, %and3A_249 : i1
          %add3A_251 = arith.constant 1 : i32
          %add3A_252 = arith.addi %while3A_184, %add3A_251 : i32
          %select_n3A_253 = arith.select %and3A_250, %add3A_252, %while3A_184 : i32
          %ne3A_254 = arith.cmpi ne, %add3A_194, %add3A_204 : i32
          %or3A_255 = arith.constant false
          %or3A_256 = arith.ori %or3A_255, %ne3A_254 : i1
          %or3A_257 = arith.ori %or3A_256, %eq3A_190 : i1
          %convert_element_type3A_258 = arith.extui %or3A_257 : i1 to i32
          %cond3A_259 = arith.constant 0 : i32
          %cond3A_260 = arith.cmpi ne, %convert_element_type3A_258, %cond3A_259 : i32
          scf.if %cond3A_260 {
            "tpu.trace_start"() <{level = 10 : i32, message = "ep_wait_in"}> : () -> ()
            %mul3A_338 = arith.constant 1280 : i32
            %mul3A_339 = arith.muli %mul3A_338, %add3A_194 : i32
            %rem3A_340 = arith.constant 2 : i32
            %rem3A_341 = arith.remui %while3A_183, %rem3A_340 : i32
            %dma_wait3A = arith.constant 0 : i32
            %dma_wait3A_342 = arith.constant 0 : i32
            %dma_wait3A_343 = tpu.memref_slice %run_scoped3A[%rem3A_341, %dma_wait3A, %dma_wait3A_342] : memref<2x1x1280xi32, #tpu.memory_space<vmem>> -> memref<1x1x1280xi32, #tpu.memory_space<vmem>>
            %dma_wait3A_344 = tpu.memref_squeeze %dma_wait3A_343 : memref<1x1x1280xi32, #tpu.memory_space<vmem>> -> memref<1x1280xi32, #tpu.memory_space<vmem>>
            %dma_wait3A_345 = arith.constant 1 : i32
            %dma_wait3A_346 = tpu.memref_slice %arg2[%dma_wait3A_345, %mul3A_339] : memref<2x320000xi32, #tpu.memory_space<hbm>> -> memref<1x1280xi32, #tpu.memory_space<hbm>>
            %dma_wait3A_347 = tpu.memref_slice %run_scoped3A_32[%rem3A_341] : memref<2x!tpu.dma_semaphore, #tpu.memory_space<semaphore_mem>> -> memref<1x!tpu.dma_semaphore, #tpu.memory_space<semaphore_mem>>
            %dma_wait3A_348 = tpu.memref_squeeze %dma_wait3A_347 : memref<1x!tpu.dma_semaphore, #tpu.memory_space<semaphore_mem>> -> memref<!tpu.dma_semaphore, #tpu.memory_space<semaphore_mem>>
            %dma_wait3A_349 = arith.constant 0 : i32
            %dma_wait3A_350 = arith.constant 0 : i32
            %dma_wait3A_351 = tpu.memref_slice %run_scoped3A[%rem3A_341, %dma_wait3A_349, %dma_wait3A_350] : memref<2x1x1280xi32, #tpu.memory_space<vmem>> -> memref<1x1x1280xi32, #tpu.memory_space<vmem>>
            %dma_wait3A_352 = tpu.memref_squeeze %dma_wait3A_351 : memref<1x1x1280xi32, #tpu.memory_space<vmem>> -> memref<1x1280xi32, #tpu.memory_space<vmem>>
            %dma_wait3A_353 = arith.constant 1 : i32
            %dma_wait3A_354 = tpu.memref_slice %arg2[%dma_wait3A_353, %mul3A_339] : memref<2x320000xi32, #tpu.memory_space<hbm>> -> memref<1x1280xi32, #tpu.memory_space<hbm>>
            tpu.wait_dma2 semaphore(%dma_wait3A_348 : memref<!tpu.dma_semaphore, #tpu.memory_space<semaphore_mem>>) src(%dma_wait3A_354 : memref<1x1280xi32, #tpu.memory_space<hbm>>) dst(%dma_wait3A_352 : memref<1x1280xi32, #tpu.memory_space<vmem>>)
            "tpu.trace_stop"() : () -> ()
          } else {
          }
          %ne3A_261 = arith.cmpi ne, %add3A_194, %add3A_204 : i32
          %or3A_262 = arith.constant false
          %or3A_263 = arith.ori %or3A_262, %ne3A_261 : i1
          %or3A_264 = arith.ori %or3A_263, %eq3A_190 : i1
          %convert_element_type3A_265 = arith.extui %or3A_264 : i1 to i32
          %cond3A_266 = arith.constant 0 : i32
          %cond3A_267 = arith.cmpi ne, %convert_element_type3A_265, %cond3A_266 : i32
          scf.if %cond3A_267 {
            "tpu.trace_start"() <{level = 10 : i32, message = "ep_wait_in"}> : () -> ()
            %mul3A_338 = arith.constant 1280 : i32
            %mul3A_339 = arith.muli %mul3A_338, %add3A_194 : i32
            %rem3A_340 = arith.constant 2 : i32
            %rem3A_341 = arith.remui %while3A_185, %rem3A_340 : i32
            %dma_wait3A = arith.constant 0 : i32
            %dma_wait3A_342 = arith.constant 0 : i32
            %dma_wait3A_343 = tpu.memref_slice %run_scoped3A_33[%rem3A_341, %dma_wait3A, %dma_wait3A_342] : memref<2x1x1280xf32, #tpu.memory_space<vmem>> -> memref<1x1x1280xf32, #tpu.memory_space<vmem>>
            %dma_wait3A_344 = tpu.memref_squeeze %dma_wait3A_343 : memref<1x1x1280xf32, #tpu.memory_space<vmem>> -> memref<1x1280xf32, #tpu.memory_space<vmem>>
            %dma_wait3A_345 = arith.constant 0 : i32
            %dma_wait3A_346 = tpu.memref_slice %arg3[%dma_wait3A_345, %mul3A_339] : memref<1x320000xf32, #tpu.memory_space<hbm>> -> memref<1x1280xf32, #tpu.memory_space<hbm>>
            %dma_wait3A_347 = tpu.memref_slice %run_scoped3A_34[%rem3A_341] : memref<2x!tpu.dma_semaphore, #tpu.memory_space<semaphore_mem>> -> memref<1x!tpu.dma_semaphore, #tpu.memory_space<semaphore_mem>>
            %dma_wait3A_348 = tpu.memref_squeeze %dma_wait3A_347 : memref<1x!tpu.dma_semaphore, #tpu.memory_space<semaphore_mem>> -> memref<!tpu.dma_semaphore, #tpu.memory_space<semaphore_mem>>
            %dma_wait3A_349 = arith.constant 0 : i32
            %dma_wait3A_350 = arith.constant 0 : i32
            %dma_wait3A_351 = tpu.memref_slice %run_scoped3A_33[%rem3A_341, %dma_wait3A_349, %dma_wait3A_350] : memref<2x1x1280xf32, #tpu.memory_space<vmem>> -> memref<1x1x1280xf32, #tpu.memory_space<vmem>>
            %dma_wait3A_352 = tpu.memref_squeeze %dma_wait3A_351 : memref<1x1x1280xf32, #tpu.memory_space<vmem>> -> memref<1x1280xf32, #tpu.memory_space<vmem>>
            %dma_wait3A_353 = arith.constant 0 : i32
            %dma_wait3A_354 = tpu.memref_slice %arg3[%dma_wait3A_353, %mul3A_339] : memref<1x320000xf32, #tpu.memory_space<hbm>> -> memref<1x1280xf32, #tpu.memory_space<hbm>>
            tpu.wait_dma2 semaphore(%dma_wait3A_348 : memref<!tpu.dma_semaphore, #tpu.memory_space<semaphore_mem>>) src(%dma_wait3A_354 : memref<1x1280xf32, #tpu.memory_space<hbm>>) dst(%dma_wait3A_352 : memref<1x1280xf32, #tpu.memory_space<vmem>>)
            "tpu.trace_stop"() : () -> ()
          } else {
          }
          %rem3A_268 = arith.constant 2 : i32
          %rem3A_269 = arith.remui %while3A_183, %rem3A_268 : i32
          %rem3A_270 = arith.constant 2 : i32
          %rem3A_271 = arith.remui %while3A_185, %rem3A_270 : i32
          "tpu.trace_start"() <{level = 10 : i32, message = "ep_run_kernel"}> : () -> ()
          %scan3A_272 = arith.constant 0 : i32
          %scan3A_273 = arith.constant 80 : i32
          %scan3A_274 = arith.addi %scan3A_272, %scan3A_273 : i32
          %scan3A_275 = arith.constant 8 : i32
          scf.for %scan3A_338 = %scan3A_272 to %scan3A_274 step %scan3A_275  : i32 {
            %mul3A_339 = arith.constant 16 : i32
            %mul3A_340 = arith.muli %scan3A_338, %mul3A_339 : i32
            %add3A_341 = arith.constant 0 : i32
            %add3A_342 = arith.addi %add3A_341, %mul3A_340 : i32
            %get3A = arith.constant 0 : i32
            %get3A_343 = arith.constant 0 : i32
            %get3A_344 = arith.constant 0 : i32
            %get3A_345 = tpu.memref_slice %run_scoped3A[%rem3A_269, %get3A_343, %get3A_344] : memref<2x1x1280xi32, #tpu.memory_space<vmem>> -> memref<1x1x1280xi32, #tpu.memory_space<vmem>>
            %get3A_346 = tpu.memref_squeeze %get3A_345 : memref<1x1x1280xi32, #tpu.memory_space<vmem>> -> memref<1x1280xi32, #tpu.memory_space<vmem>>
            %get3A_347 = arith.index_cast %get3A : i32 to index
            %get3A_348 = arith.index_cast %add3A_342 : i32 to index
            %get3A_349 = tpu.vector_load %get3A_346[%get3A_347, %get3A_348] {strides = array<i32>} : memref<1x1280xi32, #tpu.memory_space<vmem>>, vector<16xi32>,
            %get3A_350 = arith.constant 0 : i32
            %get3A_351 = arith.constant 0 : i32
            %get3A_352 = arith.constant 0 : i32
            %get3A_353 = tpu.memref_slice %run_scoped3A_33[%rem3A_271, %get3A_351, %get3A_352] : memref<2x1x1280xf32, #tpu.memory_space<vmem>> -> memref<1x1x1280xf32, #tpu.memory_space<vmem>>
            %get3A_354 = tpu.memref_squeeze %get3A_353 : memref<1x1x1280xf32, #tpu.memory_space<vmem>> -> memref<1x1280xf32, #tpu.memory_space<vmem>>
            %get3A_355 = arith.index_cast %get3A_350 : i32 to index
            %get3A_356 = arith.index_cast %add3A_342 : i32 to index
            %get3A_357 = tpu.vector_load %get3A_354[%get3A_355, %get3A_356] {strides = array<i32>} : memref<1x1280xf32, #tpu.memory_space<vmem>>, vector<16xf32>,
            tpu.vector_store_idx %arg5[%get3A_349], %get3A_357 {add = true} : memref<10000xf32, #tpu.memory_space<vmem>>[vector<16xi32>], vector<16xf32>,
            %scan3A_358 = arith.constant 1 : i32
            %scan3A_359 = arith.addi %scan3A_338, %scan3A_358 : i32
            %mul3A_360 = arith.constant 16 : i32
            %mul3A_361 = arith.muli %scan3A_359, %mul3A_360 : i32
            %add3A_362 = arith.constant 0 : i32
            %add3A_363 = arith.addi %add3A_362, %mul3A_361 : i32
            %get3A_364 = arith.constant 0 : i32
            %get3A_365 = arith.constant 0 : i32
            %get3A_366 = arith.constant 0 : i32
            %get3A_367 = tpu.memref_slice %run_scoped3A[%rem3A_269, %get3A_365, %get3A_366] : memref<2x1x1280xi32, #tpu.memory_space<vmem>> -> memref<1x1x1280xi32, #tpu.memory_space<vmem>>
            %get3A_368 = tpu.memref_squeeze %get3A_367 : memref<1x1x1280xi32, #tpu.memory_space<vmem>> -> memref<1x1280xi32, #tpu.memory_space<vmem>>
            %get3A_369 = arith.index_cast %get3A_364 : i32 to index
            %get3A_370 = arith.index_cast %add3A_363 : i32 to index
            %get3A_371 = tpu.vector_load %get3A_368[%get3A_369, %get3A_370] {strides = array<i32>} : memref<1x1280xi32, #tpu.memory_space<vmem>>, vector<16xi32>,
            %get3A_372 = arith.constant 0 : i32
            %get3A_373 = arith.constant 0 : i32
            %get3A_374 = arith.constant 0 : i32
            %get3A_375 = tpu.memref_slice %run_scoped3A_33[%rem3A_271, %get3A_373, %get3A_374] : memref<2x1x1280xf32, #tpu.memory_space<vmem>> -> memref<1x1x1280xf32, #tpu.memory_space<vmem>>
            %get3A_376 = tpu.memref_squeeze %get3A_375 : memref<1x1x1280xf32, #tpu.memory_space<vmem>> -> memref<1x1280xf32, #tpu.memory_space<vmem>>
            %get3A_377 = arith.index_cast %get3A_372 : i32 to index
            %get3A_378 = arith.index_cast %add3A_363 : i32 to index
            %get3A_379 = tpu.vector_load %get3A_376[%get3A_377, %get3A_378] {strides = array<i32>} : memref<1x1280xf32, #tpu.memory_space<vmem>>, vector<16xf32>,
            tpu.vector_store_idx %arg5[%get3A_371], %get3A_379 {add = true} : memref<10000xf32, #tpu.memory_space<vmem>>[vector<16xi32>], vector<16xf32>,
            %scan3A_380 = arith.constant 2 : i32
            %scan3A_381 = arith.addi %scan3A_338, %scan3A_380 : i32
            %mul3A_382 = arith.constant 16 : i32
            %mul3A_383 = arith.muli %scan3A_381, %mul3A_382 : i32
            %add3A_384 = arith.constant 0 : i32
            %add3A_385 = arith.addi %add3A_384, %mul3A_383 : i32
            %get3A_386 = arith.constant 0 : i32
            %get3A_387 = arith.constant 0 : i32
            %get3A_388 = arith.constant 0 : i32
            %get3A_389 = tpu.memref_slice %run_scoped3A[%rem3A_269, %get3A_387, %get3A_388] : memref<2x1x1280xi32, #tpu.memory_space<vmem>> -> memref<1x1x1280xi32, #tpu.memory_space<vmem>>
            %get3A_390 = tpu.memref_squeeze %get3A_389 : memref<1x1x1280xi32, #tpu.memory_space<vmem>> -> memref<1x1280xi32, #tpu.memory_space<vmem>>
            %get3A_391 = arith.index_cast %get3A_386 : i32 to index
            %get3A_392 = arith.index_cast %add3A_385 : i32 to index
            %get3A_393 = tpu.vector_load %get3A_390[%get3A_391, %get3A_392] {strides = array<i32>} : memref<1x1280xi32, #tpu.memory_space<vmem>>, vector<16xi32>,
            %get3A_394 = arith.constant 0 : i32
            %get3A_395 = arith.constant 0 : i32
            %get3A_396 = arith.constant 0 : i32
            %get3A_397 = tpu.memref_slice %run_scoped3A_33[%rem3A_271, %get3A_395, %get3A_396] : memref<2x1x1280xf32, #tpu.memory_space<vmem>> -> memref<1x1x1280xf32, #tpu.memory_space<vmem>>
            %get3A_398 = tpu.memref_squeeze %get3A_397 : memref<1x1x1280xf32, #tpu.memory_space<vmem>> -> memref<1x1280xf32, #tpu.memory_space<vmem>>
            %get3A_399 = arith.index_cast %get3A_394 : i32 to index
            %get3A_400 = arith.index_cast %add3A_385 : i32 to index
            %get3A_401 = tpu.vector_load %get3A_398[%get3A_399, %get3A_400] {strides = array<i32>} : memref<1x1280xf32, #tpu.memory_space<vmem>>, vector<16xf32>,
            tpu.vector_store_idx %arg5[%get3A_393], %get3A_401 {add = true} : memref<10000xf32, #tpu.memory_space<vmem>>[vector<16xi32>], vector<16xf32>,
            %scan3A_402 = arith.constant 3 : i32
            %scan3A_403 = arith.addi %scan3A_338, %scan3A_402 : i32
            %mul3A_404 = arith.constant 16 : i32
            %mul3A_405 = arith.muli %scan3A_403, %mul3A_404 : i32
            %add3A_406 = arith.constant 0 : i32
            %add3A_407 = arith.addi %add3A_406, %mul3A_405 : i32
            %get3A_408 = arith.constant 0 : i32
            %get3A_409 = arith.constant 0 : i32
            %get3A_410 = arith.constant 0 : i32
            %get3A_411 = tpu.memref_slice %run_scoped3A[%rem3A_269, %get3A_409, %get3A_410] : memref<2x1x1280xi32, #tpu.memory_space<vmem>> -> memref<1x1x1280xi32, #tpu.memory_space<vmem>>
            %get3A_412 = tpu.memref_squeeze %get3A_411 : memref<1x1x1280xi32, #tpu.memory_space<vmem>> -> memref<1x1280xi32, #tpu.memory_space<vmem>>
            %get3A_413 = arith.index_cast %get3A_408 : i32 to index
            %get3A_414 = arith.index_cast %add3A_407 : i32 to index
            %get3A_415 = tpu.vector_load %get3A_412[%get3A_413, %get3A_414] {strides = array<i32>} : memref<1x1280xi32, #tpu.memory_space<vmem>>, vector<16xi32>,
            %get3A_416 = arith.constant 0 : i32
            %get3A_417 = arith.constant 0 : i32
            %get3A_418 = arith.constant 0 : i32
            %get3A_419 = tpu.memref_slice %run_scoped3A_33[%rem3A_271, %get3A_417, %get3A_418] : memref<2x1x1280xf32, #tpu.memory_space<vmem>> -> memref<1x1x1280xf32, #tpu.memory_space<vmem>>
            %get3A_420 = tpu.memref_squeeze %get3A_419 : memref<1x1x1280xf32, #tpu.memory_space<vmem>> -> memref<1x1280xf32, #tpu.memory_space<vmem>>
            %get3A_421 = arith.index_cast %get3A_416 : i32 to index
            %get3A_422 = arith.index_cast %add3A_407 : i32 to index
            %get3A_423 = tpu.vector_load %get3A_420[%get3A_421, %get3A_422] {strides = array<i32>} : memref<1x1280xf32, #tpu.memory_space<vmem>>, vector<16xf32>,
            tpu.vector_store_idx %arg5[%get3A_415], %get3A_423 {add = true} : memref<10000xf32, #tpu.memory_space<vmem>>[vector<16xi32>], vector<16xf32>,
            %scan3A_424 = arith.constant 4 : i32
            %scan3A_425 = arith.addi %scan3A_338, %scan3A_424 : i32
            %mul3A_426 = arith.constant 16 : i32
            %mul3A_427 = arith.muli %scan3A_425, %mul3A_426 : i32
            %add3A_428 = arith.constant 0 : i32
            %add3A_429 = arith.addi %add3A_428, %mul3A_427 : i32
            %get3A_430 = arith.constant 0 : i32
            %get3A_431 = arith.constant 0 : i32
            %get3A_432 = arith.constant 0 : i32
            %get3A_433 = tpu.memref_slice %run_scoped3A[%rem3A_269, %get3A_431, %get3A_432] : memref<2x1x1280xi32, #tpu.memory_space<vmem>> -> memref<1x1x1280xi32, #tpu.memory_space<vmem>>
            %get3A_434 = tpu.memref_squeeze %get3A_433 : memref<1x1x1280xi32, #tpu.memory_space<vmem>> -> memref<1x1280xi32, #tpu.memory_space<vmem>>
            %get3A_435 = arith.index_cast %get3A_430 : i32 to index
            %get3A_436 = arith.index_cast %add3A_429 : i32 to index
            %get3A_437 = tpu.vector_load %get3A_434[%get3A_435, %get3A_436] {strides = array<i32>} : memref<1x1280xi32, #tpu.memory_space<vmem>>, vector<16xi32>,
            %get3A_438 = arith.constant 0 : i32
            %get3A_439 = arith.constant 0 : i32
            %get3A_440 = arith.constant 0 : i32
            %get3A_441 = tpu.memref_slice %run_scoped3A_33[%rem3A_271, %get3A_439, %get3A_440] : memref<2x1x1280xf32, #tpu.memory_space<vmem>> -> memref<1x1x1280xf32, #tpu.memory_space<vmem>>
            %get3A_442 = tpu.memref_squeeze %get3A_441 : memref<1x1x1280xf32, #tpu.memory_space<vmem>> -> memref<1x1280xf32, #tpu.memory_space<vmem>>
            %get3A_443 = arith.index_cast %get3A_438 : i32 to index
            %get3A_444 = arith.index_cast %add3A_429 : i32 to index
            %get3A_445 = tpu.vector_load %get3A_442[%get3A_443, %get3A_444] {strides = array<i32>} : memref<1x1280xf32, #tpu.memory_space<vmem>>, vector<16xf32>,
            tpu.vector_store_idx %arg5[%get3A_437], %get3A_445 {add = true} : memref<10000xf32, #tpu.memory_space<vmem>>[vector<16xi32>], vector<16xf32>,
            %scan3A_446 = arith.constant 5 : i32
            %scan3A_447 = arith.addi %scan3A_338, %scan3A_446 : i32
            %mul3A_448 = arith.constant 16 : i32
            %mul3A_449 = arith.muli %scan3A_447, %mul3A_448 : i32
            %add3A_450 = arith.constant 0 : i32
            %add3A_451 = arith.addi %add3A_450, %mul3A_449 : i32
            %get3A_452 = arith.constant 0 : i32
            %get3A_453 = arith.constant 0 : i32
            %get3A_454 = arith.constant 0 : i32
            %get3A_455 = tpu.memref_slice %run_scoped3A[%rem3A_269, %get3A_453, %get3A_454] : memref<2x1x1280xi32, #tpu.memory_space<vmem>> -> memref<1x1x1280xi32, #tpu.memory_space<vmem>>
            %get3A_456 = tpu.memref_squeeze %get3A_455 : memref<1x1x1280xi32, #tpu.memory_space<vmem>> -> memref<1x1280xi32, #tpu.memory_space<vmem>>
            %get3A_457 = arith.index_cast %get3A_452 : i32 to index
            %get3A_458 = arith.index_cast %add3A_451 : i32 to index
            %get3A_459 = tpu.vector_load %get3A_456[%get3A_457, %get3A_458] {strides = array<i32>} : memref<1x1280xi32, #tpu.memory_space<vmem>>, vector<16xi32>,
            %get3A_460 = arith.constant 0 : i32
            %get3A_461 = arith.constant 0 : i32
            %get3A_462 = arith.constant 0 : i32
            %get3A_463 = tpu.memref_slice %run_scoped3A_33[%rem3A_271, %get3A_461, %get3A_462] : memref<2x1x1280xf32, #tpu.memory_space<vmem>> -> memref<1x1x1280xf32, #tpu.memory_space<vmem>>
            %get3A_464 = tpu.memref_squeeze %get3A_463 : memref<1x1x1280xf32, #tpu.memory_space<vmem>> -> memref<1x1280xf32, #tpu.memory_space<vmem>>
            %get3A_465 = arith.index_cast %get3A_460 : i32 to index
            %get3A_466 = arith.index_cast %add3A_451 : i32 to index
            %get3A_467 = tpu.vector_load %get3A_464[%get3A_465, %get3A_466] {strides = array<i32>} : memref<1x1280xf32, #tpu.memory_space<vmem>>, vector<16xf32>,
            tpu.vector_store_idx %arg5[%get3A_459], %get3A_467 {add = true} : memref<10000xf32, #tpu.memory_space<vmem>>[vector<16xi32>], vector<16xf32>,
            %scan3A_468 = arith.constant 6 : i32
            %scan3A_469 = arith.addi %scan3A_338, %scan3A_468 : i32
            %mul3A_470 = arith.constant 16 : i32
            %mul3A_471 = arith.muli %scan3A_469, %mul3A_470 : i32
            %add3A_472 = arith.constant 0 : i32
            %add3A_473 = arith.addi %add3A_472, %mul3A_471 : i32
            %get3A_474 = arith.constant 0 : i32
            %get3A_475 = arith.constant 0 : i32
            %get3A_476 = arith.constant 0 : i32
            %get3A_477 = tpu.memref_slice %run_scoped3A[%rem3A_269, %get3A_475, %get3A_476] : memref<2x1x1280xi32, #tpu.memory_space<vmem>> -> memref<1x1x1280xi32, #tpu.memory_space<vmem>>
            %get3A_478 = tpu.memref_squeeze %get3A_477 : memref<1x1x1280xi32, #tpu.memory_space<vmem>> -> memref<1x1280xi32, #tpu.memory_space<vmem>>
            %get3A_479 = arith.index_cast %get3A_474 : i32 to index
            %get3A_480 = arith.index_cast %add3A_473 : i32 to index
            %get3A_481 = tpu.vector_load %get3A_478[%get3A_479, %get3A_480] {strides = array<i32>} : memref<1x1280xi32, #tpu.memory_space<vmem>>, vector<16xi32>,
            %get3A_482 = arith.constant 0 : i32
            %get3A_483 = arith.constant 0 : i32
            %get3A_484 = arith.constant 0 : i32
            %get3A_485 = tpu.memref_slice %run_scoped3A_33[%rem3A_271, %get3A_483, %get3A_484] : memref<2x1x1280xf32, #tpu.memory_space<vmem>> -> memref<1x1x1280xf32, #tpu.memory_space<vmem>>
            %get3A_486 = tpu.memref_squeeze %get3A_485 : memref<1x1x1280xf32, #tpu.memory_space<vmem>> -> memref<1x1280xf32, #tpu.memory_space<vmem>>
            %get3A_487 = arith.index_cast %get3A_482 : i32 to index
            %get3A_488 = arith.index_cast %add3A_473 : i32 to index
            %get3A_489 = tpu.vector_load %get3A_486[%get3A_487, %get3A_488] {strides = array<i32>} : memref<1x1280xf32, #tpu.memory_space<vmem>>, vector<16xf32>,
            tpu.vector_store_idx %arg5[%get3A_481], %get3A_489 {add = true} : memref<10000xf32, #tpu.memory_space<vmem>>[vector<16xi32>], vector<16xf32>,
            %scan3A_490 = arith.constant 7 : i32
            %scan3A_491 = arith.addi %scan3A_338, %scan3A_490 : i32
            %mul3A_492 = arith.constant 16 : i32
            %mul3A_493 = arith.muli %scan3A_491, %mul3A_492 : i32
            %add3A_494 = arith.constant 0 : i32
            %add3A_495 = arith.addi %add3A_494, %mul3A_493 : i32
            %get3A_496 = arith.constant 0 : i32
            %get3A_497 = arith.constant 0 : i32
            %get3A_498 = arith.constant 0 : i32
            %get3A_499 = tpu.memref_slice %run_scoped3A[%rem3A_269, %get3A_497, %get3A_498] : memref<2x1x1280xi32, #tpu.memory_space<vmem>> -> memref<1x1x1280xi32, #tpu.memory_space<vmem>>
            %get3A_500 = tpu.memref_squeeze %get3A_499 : memref<1x1x1280xi32, #tpu.memory_space<vmem>> -> memref<1x1280xi32, #tpu.memory_space<vmem>>
            %get3A_501 = arith.index_cast %get3A_496 : i32 to index
            %get3A_502 = arith.index_cast %add3A_495 : i32 to index
            %get3A_503 = tpu.vector_load %get3A_500[%get3A_501, %get3A_502] {strides = array<i32>} : memref<1x1280xi32, #tpu.memory_space<vmem>>, vector<16xi32>,
            %get3A_504 = arith.constant 0 : i32
            %get3A_505 = arith.constant 0 : i32
            %get3A_506 = arith.constant 0 : i32
            %get3A_507 = tpu.memref_slice %run_scoped3A_33[%rem3A_271, %get3A_505, %get3A_506] : memref<2x1x1280xf32, #tpu.memory_space<vmem>> -> memref<1x1x1280xf32, #tpu.memory_space<vmem>>
            %get3A_508 = tpu.memref_squeeze %get3A_507 : memref<1x1x1280xf32, #tpu.memory_space<vmem>> -> memref<1x1280xf32, #tpu.memory_space<vmem>>
            %get3A_509 = arith.index_cast %get3A_504 : i32 to index
            %get3A_510 = arith.index_cast %add3A_495 : i32 to index
            %get3A_511 = tpu.vector_load %get3A_508[%get3A_509, %get3A_510] {strides = array<i32>} : memref<1x1280xf32, #tpu.memory_space<vmem>>, vector<16xf32>,
            tpu.vector_store_idx %arg5[%get3A_503], %get3A_511 {add = true} : memref<10000xf32, #tpu.memory_space<vmem>>[vector<16xi32>], vector<16xf32>,
          }
          %scan3A_276 = arith.constant 80 : i32
          "tpu.trace_stop"() : () -> ()
          %ne3A_277 = arith.cmpi ne, %add3A_194, %add3A_212 : i32
          %or3A_278 = arith.constant false
          %or3A_279 = arith.ori %or3A_278, %ne3A_277 : i1
          %or3A_280 = arith.ori %or3A_279, %eq3A_193 : i1
          %convert_element_type3A_281 = arith.extui %or3A_280 : i1 to i32
          %cond3A_282 = arith.constant 0 : i32
          %cond3A_283 = arith.cmpi ne, %convert_element_type3A_281, %cond3A_282 : i32
          scf.if %cond3A_283 {
          } else {
          }
          %and3A_284 = arith.constant false
          %and3A_285 = arith.andi %or3A_280, %and3A_284 : i1
          %ne3A_286 = arith.cmpi ne, %add3A_194, %add3A_212 : i32
          %or3A_287 = arith.constant false
          %or3A_288 = arith.ori %or3A_287, %ne3A_286 : i1
          %or3A_289 = arith.ori %or3A_288, %eq3A_193 : i1
          %convert_element_type3A_290 = arith.extui %or3A_289 : i1 to i32
          %cond3A_291 = arith.constant 0 : i32
          %cond3A_292 = arith.cmpi ne, %convert_element_type3A_290, %cond3A_291 : i32
          scf.if %cond3A_292 {
          } else {
          }
          %and3A_293 = arith.constant false
          %and3A_294 = arith.andi %or3A_289, %and3A_293 : i1
          %ne3A_295 = arith.cmpi ne, %add3A_194, %add3A_204 : i32
          %or3A_296 = arith.constant false
          %or3A_297 = arith.ori %or3A_296, %ne3A_295 : i1
          %not3A_298 = arith.constant true
          %not3A_299 = arith.xori %eq3A_190, %not3A_298 : i1
          %and3A_300 = arith.andi %or3A_297, %not3A_299 : i1
          %convert_element_type3A_301 = arith.extui %and3A_300 : i1 to i32
          %cond3A_302 = arith.constant 0 : i32
          %cond3A_303 = arith.cmpi ne, %convert_element_type3A_301, %cond3A_302 : i32
          scf.if %cond3A_303 {
          } else {
          }
          %and3A_304 = arith.constant false
          %and3A_305 = arith.andi %and3A_300, %and3A_304 : i1
          %ne3A_306 = arith.cmpi ne, %add3A_194, %add3A_204 : i32
          %or3A_307 = arith.constant false
          %or3A_308 = arith.ori %or3A_307, %ne3A_306 : i1
          %not3A_309 = arith.constant true
          %not3A_310 = arith.xori %eq3A_190, %not3A_309 : i1
          %and3A_311 = arith.andi %or3A_308, %not3A_310 : i1
          %convert_element_type3A_312 = arith.extui %and3A_311 : i1 to i32
          %cond3A_313 = arith.constant 0 : i32
          %cond3A_314 = arith.cmpi ne, %convert_element_type3A_312, %cond3A_313 : i32
          scf.if %cond3A_314 {
          } else {
          }
          %and3A_315 = arith.constant false
          %and3A_316 = arith.andi %and3A_311, %and3A_315 : i1
          %ne3A_317 = arith.cmpi ne, %add3A_194, %add3A_212 : i32
          %or3A_318 = arith.constant false
          %or3A_319 = arith.ori %or3A_318, %ne3A_317 : i1
          %or3A_320 = arith.ori %or3A_319, %eq3A_193 : i1
          %add3A_321 = arith.constant 1 : i32
          %add3A_322 = arith.addi %while3A_183, %add3A_321 : i32
          %select_n3A_323 = arith.select %or3A_320, %add3A_322, %while3A_183 : i32
          %ne3A_324 = arith.cmpi ne, %add3A_194, %add3A_212 : i32
          %or3A_325 = arith.constant false
          %or3A_326 = arith.ori %or3A_325, %ne3A_324 : i1
          %or3A_327 = arith.ori %or3A_326, %eq3A_193 : i1
          %add3A_328 = arith.constant 1 : i32
          %add3A_329 = arith.addi %while3A_185, %add3A_328 : i32
          %select_n3A_330 = arith.select %or3A_327, %add3A_329, %while3A_185 : i32
          %add3A_331 = arith.constant 1 : i32
          %add3A_332 = arith.addi %while3A_186, %add3A_331 : i32
          %select_n3A_333 = arith.constant true
          %select_n3A_334 = arith.select %select_n3A_333, %add3A_332, %while3A_186 : i32
          %eq3A_335 = arith.cmpi eq, %select_n3A_334, %select_n3A : i32
          %select_n3A_336 = arith.constant 0 : i32
          %select_n3A_337 = arith.select %eq3A_335, %select_n3A_336, %select_n3A_334 : i32
          scf.yield %select_n3A_234, %select_n3A_323, %select_n3A_253, %select_n3A_330, %select_n3A_337 : i32, i32, i32, i32, i32
        }
        %sub3A_130 = arith.constant 1 : i32
        %sub3A_131 = arith.subi %while3A_129#4, %sub3A_130 : i32
        %select_n3A_132 = arith.constant true
        %select_n3A_133 = arith.select %select_n3A_132, %sub3A_131, %while3A_129#4 : i32
        %eq3A_134 = arith.constant -1 : i32
        %eq3A_135 = arith.cmpi eq, %select_n3A_133, %eq3A_134 : i32
        %sub3A_136 = arith.constant 1 : i32
        %sub3A_137 = arith.subi %select_n3A, %sub3A_136 : i32
        %select_n3A_138 = arith.select %eq3A_135, %sub3A_137, %select_n3A_133 : i32
        %sub3A_139 = arith.constant 1 : i32
        %sub3A_140 = arith.subi %mul3A_28, %sub3A_139 : i32
        %mul3A_141 = arith.constant 1 : i32
        %mul3A_142 = arith.muli %mul3A_141, %select_n3A : i32
        %eq3A_143 = arith.constant 0 : i32
        %eq3A_144 = arith.cmpi eq, %sub3A_140, %eq3A_143 : i32
        %sub3A_145 = arith.constant 1 : i32
        %sub3A_146 = arith.subi %mul3A_142, %sub3A_145 : i32
        %eq3A_147 = arith.cmpi eq, %sub3A_140, %sub3A_146 : i32
        %add3A_148 = arith.addi %select_n3A_138, %select_n3A_26 : i32
        %sub3A_149 = arith.constant 1 : i32
        %sub3A_150 = arith.subi %select_n3A_138, %sub3A_149 : i32
        %select_n3A_151 = arith.constant true
        %select_n3A_152 = arith.select %select_n3A_151, %sub3A_150, %select_n3A_138 : i32
        %eq3A_153 = arith.constant -1 : i32
        %eq3A_154 = arith.cmpi eq, %select_n3A_152, %eq3A_153 : i32
        %sub3A_155 = arith.constant 1 : i32
        %sub3A_156 = arith.subi %select_n3A, %sub3A_155 : i32
        %select_n3A_157 = arith.select %eq3A_154, %sub3A_156, %select_n3A_152 : i32
        %add3A_158 = arith.addi %select_n3A_157, %select_n3A_26 : i32
        %add3A_159 = arith.constant 1 : i32
        %add3A_160 = arith.addi %select_n3A_138, %add3A_159 : i32
        %select_n3A_161 = arith.constant true
        %select_n3A_162 = arith.select %select_n3A_161, %add3A_160, %select_n3A_138 : i32
        %eq3A_163 = arith.cmpi eq, %select_n3A_162, %select_n3A : i32
        %select_n3A_164 = arith.constant 0 : i32
        %select_n3A_165 = arith.select %eq3A_163, %select_n3A_164, %select_n3A_162 : i32
        %add3A_166 = arith.addi %select_n3A_165, %select_n3A_26 : i32
        %add3A_167 = arith.constant 1 : i32
        %add3A_168 = arith.addi %select_n3A_165, %add3A_167 : i32
        %select_n3A_169 = arith.constant true
        %select_n3A_170 = arith.select %select_n3A_169, %add3A_168, %select_n3A_165 : i32
        %eq3A_171 = arith.cmpi eq, %select_n3A_170, %select_n3A : i32
        %select_n3A_172 = arith.constant 0 : i32
        %select_n3A_173 = arith.select %eq3A_171, %select_n3A_172, %select_n3A_170 : i32
        %add3A_174 = arith.addi %select_n3A_173, %select_n3A_26 : i32
        %convert_element_type3A_175 = arith.extui %eq3A_147 : i1 to i32
        %cond3A_176 = arith.constant 0 : i32
        %cond3A_177 = arith.cmpi ne, %convert_element_type3A_175, %cond3A_176 : i32
        scf.if %cond3A_177 {
        } else {
        }
        %convert_element_type3A_178 = arith.extui %eq3A_147 : i1 to i32
        %cond3A_179 = arith.constant 0 : i32
        %cond3A_180 = arith.cmpi ne, %convert_element_type3A_178, %cond3A_179 : i32
        scf.if %cond3A_180 {
        } else {
        }
      } else {
      }
      tpu.yield
    }) : () -> ()
    %mul3A_29 = arith.constant 2 : i32
    %mul3A_30 = arith.muli %arg1, %mul3A_29 : i32
    %add3A_31 = arith.addi %mul3A_30, %arg0 : i32
    "tpu.region"() ({
      %run_scoped3A = tpu.sem_alloc : memref<!tpu.dma_semaphore, #tpu.memory_space<semaphore_mem>>
      %dma_start3A = arith.constant 0 : i32
      %dma_start3A_32 = tpu.memref_slice %arg4[%add3A_31, %dma_start3A] : memref<32x10000xf32, #tpu.memory_space<hbm>> -> memref<1x10000xf32, #tpu.memory_space<hbm>>
      %dma_start3A_33 = tpu.memref_squeeze %dma_start3A_32 : memref<1x10000xf32, #tpu.memory_space<hbm>> -> memref<10000xf32, #tpu.memory_space<hbm>>
      %dma_start3A_34 = arith.constant 0 : i32
      %dma_start3A_35 = tpu.memref_slice %arg4[%add3A_31, %dma_start3A_34] : memref<32x10000xf32, #tpu.memory_space<hbm>> -> memref<1x10000xf32, #tpu.memory_space<hbm>>
      %dma_start3A_36 = tpu.memref_squeeze %dma_start3A_35 : memref<1x10000xf32, #tpu.memory_space<hbm>> -> memref<10000xf32, #tpu.memory_space<hbm>>
      tpu.enqueue_dma source(%arg5 : memref<10000xf32, #tpu.memory_space<vmem>>) target(%dma_start3A_36 : memref<10000xf32, #tpu.memory_space<hbm>>) target_semaphore(%run_scoped3A : memref<!tpu.dma_semaphore, #tpu.memory_space<semaphore_mem>>)
      %dma_wait3A = arith.constant 0 : i32
      %dma_wait3A_37 = tpu.memref_slice %arg4[%add3A_31, %dma_wait3A] : memref<32x10000xf32, #tpu.memory_space<hbm>> -> memref<1x10000xf32, #tpu.memory_space<hbm>>
      %dma_wait3A_38 = tpu.memref_squeeze %dma_wait3A_37 : memref<1x10000xf32, #tpu.memory_space<hbm>> -> memref<10000xf32, #tpu.memory_space<hbm>>
      %dma_wait3A_39 = arith.constant 0 : i32
      %dma_wait3A_40 = tpu.memref_slice %arg4[%add3A_31, %dma_wait3A_39] : memref<32x10000xf32, #tpu.memory_space<hbm>> -> memref<1x10000xf32, #tpu.memory_space<hbm>>
      %dma_wait3A_41 = tpu.memref_squeeze %dma_wait3A_40 : memref<1x10000xf32, #tpu.memory_space<hbm>> -> memref<10000xf32, #tpu.memory_space<hbm>>
      tpu.wait_dma2 semaphore(%run_scoped3A : memref<!tpu.dma_semaphore, #tpu.memory_space<semaphore_mem>>) src(%arg5 : memref<10000xf32, #tpu.memory_space<vmem>>) dst(%dma_wait3A_41 : memref<10000xf32, #tpu.memory_space<hbm>>)
      tpu.yield
    }) : () -> ()
    return
  }
}

</mosaic_0001>

<sc_bundles>
// kernel: kernel.3.cloned.1.call-start
scs
__scs_entry_jumppad:
0x0: {  	(pc) =	sbr.rel $0x88, $3  }
0x1: {  	(tag) =	ssettag $0x0;
	lr =	simm.s32 $0x1  }
0x2: {  	[smem:$0x3F9F] =	sst lr;
	_ =	strace $0xD0000000  }
0x3: {  	_ = 	snop  }
0x4: {  	_ = 	snop  }
0x5: {  	_ = 	snop  }
0x6: {  	_ = 	snop  }
0x7: {  	_ = 	snop  }
__scs_overlays_trampoline_lowered:
0x8: {  	[smem:$0x3FAE] =	sst s0  }
0x9: {  	[smem:$0x3FAF] =	sst s1  }
0xa: {  	[smem:$0x3FB0] =	sst s2  }
0xb: {  	[smem:$0x3FB1] =	sst s3  }
0xc: {  	[smem:$0x3FB2] =	sst s4  }
0xd: {  	[smem:$0x3FB3] =	sst s5  }
0xe: {  	[smem:$0x3FB4] =	sst s6  }
0xf: {  	[smem:$0x3FB5] =	sst s7  }
0x10: {  	[smem:$0x3FB6] =	sst s8  }
0x11: {  	[smem:$0x3FB7] =	sst s9;
	s0 =	simm.s32 @!p0 $0x0  }
0x12: {  	s1 =	sld [smem:$0x3F9D];
	s0 =	simm.s32 @p0 $0x1  }
0x13: {  	[smem:$0x3FB8] =	sst s0;
	s0 =	simm.s32 @!p1 $0x0  }
0x14: {  	s2 =	sld [smem:$0x3F9C];
	s0 =	simm.s32 @p1 $0x1  }
0x15: {  	[smem:$0x3FB9] =	sst s0;
	s0 =	simm.s32 @!p2 $0x0  }
0x16: {  	s3 =	sld [smem:$0x3FDB];
	s0 =	simm.s32 @p2 $0x1  }
0x17: {  	s4 =	simm.s32 $0x1BF5;
	[smem:$0x3FBB] =	sst s0  }
0x18: {  	s0 =	sld [smem:$0x3F9E];
	_ =	swait.ge [sflag:s4], $0x0  }
0x19: {  	s7 =	sld [smem:$0x3F9F]  }
0x1a: {  	s8 =	sadd.s32 $0xFFFFE003, lr  }
0x1b: {  	s9 =	sadd.s32 $0xFFFFFEF7, lr;
	s5 =	simm.s32 $0xFFFFFFFF;
	p2 =	slt.u32 s8, $0xFFFFF086  }
0x1c: {  	p1 =	slt.u32 s9, $0xF7A;
	s5 =	simm.s32 @!p2 $0x0  }
0x1d: {  	s5 =	simm.s32 @p1 $0x1;
	p0 =	seq.s32 s7, s2  }
0x1e: {  	s7 =	smul.u32 @!p0 $0xF7A, s2;
	p2 =	seq.s32 @!p0 s5, $0x0  }
0x1f: {  	s9 =	smul.u32 $0xF7A, s1;
	s8 =	simm.s32 @!p0 $0x1BF5;
	p2 =	por !p2, p0  }
0x20: {  	[sflag:s8] =	ssyncset.s32 @!p0 $0xFFFFF086;
	s6 =	sadd.s32 @!p0 s3, s7;
	s7 =	simm.s32 @!p0 $0x108  }
0x21: {  	s3 =	sadd.s32 s3, s9;
	s6 =	sadd.s32 @!p0 $0x88, s6;
	s7 =	simm.s32 @p2 $0x1082  }
0x22: {  	[simem:s7], [sflag:s8] =	dma.local @!p0 [hbm:s6], $0xF7A  }
0x23: {  	s9 =	sor.u32 $0xD0000000, s2;
	s6 =	simm.s32 $0x108;
	_ =	swait.ge @!p0 [sflag:s8], $0x0  }
0x24: {  	s3 =	sadd.s32 $0x88, s3;
	s6 =	simm.s32 @!p1 $0x1082;
	[sflag:s4] =	ssyncset.s32 $0xFFFFF086  }
0x25: {  	[simem:s6], [sflag:s4] =	dma.local [hbm:s3], $0xF7A  }
0x26: {  	[smem:$0x3F9F] =	sst s1;
	(tag) =	ssettag s2;
	_ =	strace s9  }
0x27: {  	s1 =	sld [smem:$0x3FAF]  }
0x28: {  	s2 =	sld [smem:$0x3FB0]  }
0x29: {  	s4 =	sld [smem:$0x3FB2]  }
0x2a: {  	p0 =	seq.s32 s5, $0x0;
	s5 =	sld [smem:$0x3FB3]  }
0x2b: {  	s6 =	sld [smem:$0x3FB4]  }
0x2c: {  	s7 =	sld [smem:$0x3FB5]  }
0x2d: {  	s3 =	simm.s32 $0x108;
	s8 =	sld [smem:$0x3FB6]  }
0x2e: {  	s3 =	simm.s32 @!p0 $0x1082;
	s9 =	sld [smem:$0x3FB7]  }
0x2f: {  	lr =	sadd.s32 s0, s3;
	s0 =	sld [smem:$0x3FAE]  }
0x30: {  	s3 =	sld [smem:$0x3FB1]  }
0x31: {  	[smem:$0x3FBA] =	sst s10  }
0x32: {  	s10 =	sld [smem:$0x3FB8];
	_ =	sdelay $0x3  }
0x33: {  	p0 =	seq.s32 s10, $0x1;
	s10 =	sld [smem:$0x3FBA];
	_ =	sdelay $0x3  }
0x34: {  	[smem:$0x3FBA] =	sst s10  }
0x35: {  	s10 =	sld [smem:$0x3FB9];
	_ =	sdelay $0x3  }
0x36: {  	p1 =	seq.s32 s10, $0x1;
	s10 =	sld [smem:$0x3FBA];
	_ =	sdelay $0x3  }
0x37: {  	[smem:$0x3FBA] =	sst s10  }
0x38: {  	s10 =	sld [smem:$0x3FBB]  }
0x39: {  	_ = 	snop;
	(pc) =	sbr.ind lr, $3  }
0x3a: {  	_ = 	snop  }
0x3b: {  	_ = 	snop  }
0x3c: {  	p2 =	seq.s32 s10, $0x1;
	s10 =	sld [smem:$0x3FBA]  }
0x3d: {  	_ =	shalt  }
0x3e: {  	_ =	shalt  }
0x3f: {  	_ =	shalt  }
0x40: {  	_ =	shalt  }
0x41: {  	_ =	shalt  }
0x42: {  	_ =	shalt  }
0x43: {  	_ =	shalt  }
0x44: {  	_ =	shalt  }
0x45: {  	_ =	shalt  }
0x46: {  	_ =	shalt  }
0x47: {  	_ =	shalt  }
0x48: {  	_ =	shalt  }
0x49: {  	_ =	shalt  }
0x4a: {  	_ =	shalt  }
0x4b: {  	_ =	shalt  }
0x4c: {  	_ =	shalt  }
0x4d: {  	_ =	shalt  }
0x4e: {  	_ =	shalt  }
0x4f: {  	_ =	shalt  }
0x50: {  	_ =	shalt  }
0x51: {  	_ =	shalt  }
0x52: {  	_ =	shalt  }
0x53: {  	_ =	shalt  }
0x54: {  	_ =	shalt  }
0x55: {  	_ =	shalt  }
0x56: {  	_ =	shalt  }
0x57: {  	_ =	shalt  }
0x58: {  	_ =	shalt  }
0x59: {  	_ =	shalt  }
0x5a: {  	_ =	shalt  }
0x5b: {  	_ =	shalt  }
0x5c: {  	_ =	shalt  }
0x5d: {  	_ =	shalt  }
0x5e: {  	_ =	shalt  }
0x5f: {  	_ =	shalt  }
0x60: {  	_ =	shalt  }
0x61: {  	_ =	shalt  }
0x62: {  	_ =	shalt  }
0x63: {  	_ =	shalt  }
0x64: {  	_ =	shalt  }
0x65: {  	_ =	shalt  }
0x66: {  	_ =	shalt  }
0x67: {  	_ =	shalt  }
0x68: {  	_ =	shalt  }
0x69: {  	_ =	shalt  }
0x6a: {  	_ =	shalt  }
0x6b: {  	_ =	shalt  }
0x6c: {  	_ =	shalt  }
0x6d: {  	_ =	shalt  }
0x6e: {  	_ =	shalt  }
0x6f: {  	_ =	shalt  }
0x70: {  	_ =	shalt  }
0x71: {  	_ =	shalt  }
0x72: {  	_ =	shalt  }
0x73: {  	_ =	shalt  }
0x74: {  	_ =	shalt  }
0x75: {  	_ =	shalt  }
0x76: {  	_ =	shalt  }
0x77: {  	_ =	shalt  }
0x78: {  	_ =	shalt  }
0x79: {  	_ =	shalt  }
0x7a: {  	_ =	shalt  }
0x7b: {  	_ =	shalt  }
0x7c: {  	_ =	shalt  }
0x7d: {  	_ =	shalt  }
0x7e: {  	_ =	shalt  }
0x7f: {  	_ =	shalt  }
0x80: {  	_ =	shalt  }
0x81: {  	_ =	shalt  }
0x82: {  	_ =	shalt  }
0x83: {  	_ =	shalt  }
0x84: {  	_ =	shalt  }
0x85: {  	_ =	shalt  }
0x86: {  	_ =	shalt  }
0x87: {  	_ =	shalt  }
.Lfunc_end0:
.L_simem_size_0:
called_computation_lowered:
.L_overlay_start_0:
0x88: {  	s2 =	sld [smem:$0x3FD9]  }
0x89: {  	s3 =	sld [smem:$0x3FFE];
	_ =	sdelay $0x1  }
0x8a: {  	s1 =	srdreg.scid  }
0x8b: {  	s0 =	sand.u32 $0x1, s1  }
0x8c: {  	s18 =	sshll.u32 s0, $0xA;
	s2 =	sadd.s32 s3, s2  }
0x8d: {  	s2 =	sadd.s32 s2, s18  }
0x8e: {  	[smem:$0x3FC6] =	sst s2  }
0x8f: {  	_ = 	snop  }
0x90: {  	s2 =	sld [smem:$0x3FC9]  }
0x91: {  	s19 =	sld [smem:$0x3FC8]  }
0x92: {  	s4 =	sld [smem:$0x3FD0];
	(tm) =	ssettm $0x1  }
0x93: {  	s5 =	sld [smem:$0x3FFB];
	_ =	sdelay $0x3  }
0x94: {  	_ =	strace s5  }
0x95: {  	s5 =	sld [smem:$0x3FFC];
	_ =	sdelay $0x3  }
0x96: {  	_ =	strace s5  }
0x97: {  	s5 =	sld [smem:$0x3FFD];
	_ =	sdelay $0x3  }
0x98: {  	_ =	strace s5  }
0x99: {  	_ =	strace $0x8FFFFFFF  }
0x9a: {  	s20 =	sld [smem:$0x3FDB];
	_ =	sdelay $0x1  }
0x9b: {  	s6 =	simm.s32 $_scs_section_size  }
0x9c: {  	s7 =	simm.s32 $_size__tile_overlayer_lowered;
	s8 =	simm.s32 $_tile_overlayer_lowered  }
0x9d: {  	s23 =	simm.s32 $0x1BFF;
	s22 =	sshll.u32 s8, $0x1;
	s5 =	sadd.s32 s6, s20  }
0x9e: {  	s9 =	simm.s32 $0x0;
	s21 =	sshll.u32 s7, $0x1;
	s7 =	sadd.s32 s22, s5  }
0x9f: {  	[timem:s9], [sflag:s23] =	dma.local [hbm:s7], s21  }
0xa0: {  	_ =	swait.ge [sflag:s23], s21  }
0xa1: {  	s6 =	ssub.s32 $0x0, s21;
	[sflag:s23] =	ssyncset.done $0x0  }
0xa2: {  	[sflag:s23] =	ssyncadd.s32 s6;
	_ =	sdelay $0x1  }
0xa3: {  	s24 =	simm.s32 $0x1B8B  }
0xa4: {  	_ =	swait.ge [sflag:s24], $0x1  }
0xa5: {  	[sflag:s24] =	ssyncset.done $0x0  }
0xa6: {  	s25 =	simm.s32 $0x1B8E;
	[sflag:s24] =	ssyncadd.s32 $0xFFFFFFFF  }
0xa7: {  	s26 =	simm.s32 $execute0_lowered;
	[smem:$0x3FD2] =	sst s25  }
0xa8: {  	s6 =	sshll.u32 s26, $0x1;
	_ =	strace $0x80000046;
	[dreg:$0x1] =	wrdreg $0xFFFFFFFF  }
0xa9: {  	s28 =	simm.s32 $_size_execute0_lowered;
	s5 =	sadd.s32 s5, s6;
	[dreg:$0x0] =	wrdreg $0x0  }
0xaa: {  	s6 =	sshll.u32 s28, $0x1;
	[dreg:$0x2] =	wrdreg s5  }
0xab: {  	[dreg:$0x3] =	wrdreg s6  }
0xac: {  	[dreg:$0x4] =	wrdreg $0xC0  }
0xad: {  	_ =	task [dreg:s9], $0x5FFFF  }
0xae: {  	[dreg:$0x1] =	wrdreg $0xFFFFFFFF  }
0xaf: {  	[dreg:$0x0] =	wrdreg $0x60  }
0xb0: {  	[dreg:$0x2] =	wrdreg s19  }
0xb1: {  	[dreg:$0x3] =	wrdreg s2  }
0xb2: {  	[dreg:$0x4] =	wrdreg s4  }
0xb3: {  	[dreg:$0x5] =	wrdreg $0x9  }
0xb4: {  	_ =	task.clear_ibuf [dreg:s9], $0x6FFFF;
	_ =	strace $0x90000046  }
0xb5: {  	s29 =	simm.s32 $0x9;
	_ =	strace $0x8000004E  }
0xb6: {  	_ =	swait.ge [sflag:s29], $0x1  }
0xb7: {  	[sflag:s29] =	ssyncadd.s32 $0xFFFFFFFF  }
0xb8: {  	_ =	strace $0x9000004E  }
0xb9: {  	_ =	sfence  }
0xba: {  	s30 =	sld [smem:$0x0];
	_ =	sdelay $0x2  }
0xbb: {  	s31 =	sshll.u32 s1, $0xD;
	s1 =	sshrl.u32 s1, $0x2  }
0xbc: {  	s3 =	sand.u32 $0x4000, s31;
	s1 =	sadd.s32 s1, s30  }
0xbd: {  	s0 =	sor.u32 s3, s0;
	s1 =	sshll.u32 s1, $0x11  }
0xbe: {  	s0 =	sor.u32 s1, s0  }
0xbf: {  	s0 =	sadd.s32 $0x8F2B, s0  }
0xc0: {  	[sflag:s0] =	ssyncadd.remote.s32 $0x1  }
0xc1: {  	_ =	sfence.sel $0xFFFF  }
0xc2: {  	[dreg:$0x0] =	wrdreg $0xFFFFFFFF;
	(pc) =	sbr.abs _section_cstart, $3  }
0xc3: {  	[dreg:$0x1] =	wrdreg $0xFFFFFFFF  }
0xc4: {  	_ =	task.clear_ibuf [dreg:s9], $0x2FFFF;
	_ =	strace $0x9FFFFFFF  }
0xc5: {  	(tm) =	ssettm $0x7FFFFFFF  }
tec
execute0_lowered:
.L_overlay_start_1:
0x0: {  	(tag) =	ssettag $0x1  }
0x1: {  	s6 =	rddreg [dreg:$0x0]  }
0x2: {  	s0 =	srdreg.scid;
	s2 =	rddreg [dreg:$0x1]  }
0x3: {  	s10 =	rddreg [dreg:$0x2];
	s28 =	stileid.u32  }
0x4: {  	s3 =	simm.s32 $0x0;
	s14 =	simm.s32 $0x2780;
	s15 =	simm.s32 $0x3180  }
0x5: {  	s16 =	simm.s32 $0x1;
	s17 =	simm.s32 $0x400;
	s7 =	sand.u32 $0x1, s0  }
0x6: {  	s18 =	simm.s32 $0x0;
	[smem:$0x7FF] =	sst s3;
	s4 =	sshll.u32 s7, $0x4  }
0x7: {  	s30 =	sshrl.u32 s28, $0x2;
	s31 =	sshll.u32 s28, $0x8;
	s4 =	sor.u32 s28, s4  }
0x8: {  	s6 =	sadd.s32 $0x10, s6;
	s5 =	ssub.s32 $0x2, s7;
	s8 =	smul.u32 $0x7, s4  }
0x9: {  	_ =	strace $0x80000047;
	s7 =	sshll.u32 s7, $0x7;
	s9 =	sshrl.u32 s5, $0x1  }
0xa: {  	p0 =	slt.u32 s4, $0x1A;
	s11 =	sshll.u32 s4, $0x3;
	s4 =	sadd.s32 $0x1A, s8  }
0xb: {  	s12 =	ssub.s32 s5, s9;
	s9 =	smul.u32 $0x13C00, s30;
	s4 =	smov.u32 @p0 s11  }
0xc: {  	s5 =	simm.s32 $0x8;
	s11 =	sand.u32 $0x300, s31;
	s29 =	smul.u32 $0x140, s4  }
0xd: {  	s5 =	simm.s32 @!p0 $0x7;
	s13 =	smul.u32 $0xA0, s4;
	s11 =	sor.u32 s7, s11  }
0xe: {  	s11 =	sor.u32 s9, s11;
	s9 =	sadd.s32 $0xFFFFFFFF, s5;
	s7 =	sadd.s32 s29, s6  }
0xf: {  	s8 =	sadd.s32 s2, s13;
	s11 =	sshrl.u32 s11, $0x3;
	s13 =	simm.s32 $0x100  }
0x10: {  	v0 =	vimm.f32 $0.0e+00;
	s10 =	sadd.s32 s10, s11;
	s11 =	smax.u32 s12, $0x1;
	s12 =	simm.s32 $0x80  }
.LBB2_1:
0x11: {  	s19 =	simm.s32 $0x40  }
0x12: {  	[tilespmem:s19+$0xFFFFFFC0] =	vst v0  }
0x13: {  	[tilespmem:s19+$0x30] =	vst v0  }
0x14: {  	[tilespmem:s19+$0x20] =	vst v0  }
0x15: {  	[tilespmem:s19+$0x10] =	vst v0  }
0x16: {  	[tilespmem:s19+$0x0] =	vst v0  }
0x17: {  	[tilespmem:s19+$0xFFFFFFF0] =	vst v0  }
0x18: {  	s20 =	simm.s32 $0x0;
	[tilespmem:s19+$0xFFFFFFE0] =	vst v0  }
.LBB2_2:
0x19: {  	s20 =	sadd.s32 $0x8, s20;
	[tilespmem:s19+$0xFFFFFFD0] =	vst v0;
	s19 =	sadd.s32 $0x80, s19  }
0x1a: {  	[tilespmem:s19+$0xFFFFFFC0] =	vst v0;
	p0 =	slt.u32 s20, $0x268  }
0x1b: {  	[tilespmem:s19+$0x30] =	vst v0  }
.Ltmp0:
0x1c: {  	[tilespmem:s19+$0x20] =	vst v0;
	(pc) =	sbr.rel @p0 .LBB2_2-.Ltmp0, $4  }
0x1d: {  	[tilespmem:s19+$0x10] =	vst v0  }
0x1e: {  	[tilespmem:s19+$0x0] =	vst v0  }
0x1f: {  	[tilespmem:s19+$0xFFFFFFF0] =	vst v0  }
0x20: {  	[tilespmem:s19+$0xFFFFFFE0] =	vst v0  }
0x21: {  	[tilespmem:s19+$0xFFFFFFD0] =	vst v0  }
0x22: {  	[tilespmem:$0x2700] =	vst v0  }
0x23: {  	s19 =	simm.s32 $0x0;
	s25 =	simm.s32 $0x1;
	_ =	strace $0x80000048  }
0x24: {  	[tilespmem:s14], [sflag:$0x1] =	stream.strided.gather [hbm4b:s7+s12], $0x500, s13, s12, $0x200038;
	[tilespmem:$0x3B80] =	vst v63  }
0x25: {  	s20 =	simm.s32 $0x0;
	s21 =	simm.s32 $0x1;
	s22 =	simm.s32 $0x0  }
0x26: {  	[tilespmem:s15], [sflag:$0x3] =	stream.linear.gather [hbm4b:s8+s19], $0x500, $0x200038;
	[tilespmem:$0x3B80] =	vst v63  }
0x27: {  	s23 =	simm.s32 $0x0;
	s24 =	smov.u32 s25;
	_ =	strace $0x90000048  }
.LBB2_4:
0x28: {  	s26 =	smov.u32 s19;
	s19 =	sadd.s32 $0x1, s19  }
0x29: {  	p0 =	seq.s32 s19, s5  }
0x2a: {  	s19 =	simm.s32 @p0 $0x0;
	p0 =	sge.s32 s23, s9  }
0x2b: {  	p1 =	seq.s32 @!p0 s26, s19  }
0x2c: {  	p2 =	por p1, p0  }
0x2d: {  	s28 =	sand.u32 @!p2 $0x1, s25  }
0x2e: {  	s29 =	sadd.s32 @!p2 s4, s19;
	s30 =	smul.u32 @!p2 $0x1400, s28  }
0x2f: {  	s31 =	smul.u32 @!p2 $0xA00, s29  }
0x30: {  	_ =	strace @!p2 $0x80000049;
	s0 =	simm.s32 @!p2 $0x80  }
0x31: {  	s1 =	simm.s32 @!p2 $0x100;
	s30 =	sshrl.u32 @!p2 s30, $0x2;
	s31 =	sshrl.u32 @!p2 s31, $0x3  }
0x32: {  	s28 =	sadd.s32 @!p2 $0x1, s28;
	s30 =	sadd.s32 @!p2 $0x2780, s30;
	s31 =	sadd.s32 @!p2 s31, s6  }
0x33: {  	[tilespmem:s30], [sflag:s28] =	stream.strided.gather @!p2 [hbm4b:s31+s0], $0x500, s1, s0, $0x200038;
	[tilespmem:$0x3B80] =	vst v63  }
0x34: {  	s0 =	sand.u32 @!p2 $0x1, s21;
	s28 =	smul.u32 @!p2 $0x500, s29  }
0x35: {  	s1 =	smul.u32 @!p2 $0x1400, s0  }
0x36: {  	s29 =	simm.s32 @!p2 $0x0;
	_ =	strace @!p2 $0x90000049  }
0x37: {  	s0 =	sadd.s32 @!p2 $0x3, s0;
	s28 =	sshrl.u32 @!p2 s28, $0x3;
	s1 =	sshrl.u32 @!p2 s1, $0x2  }
0x38: {  	_ =	strace @!p2 $0x8000004A;
	s28 =	sadd.s32 @!p2 s2, s28;
	s1 =	sadd.s32 @!p2 $0x3180, s1  }
0x39: {  	[tilespmem:s1], [sflag:s0] =	stream.linear.gather @!p2 [hbm4b:s28+s29], $0x500, $0x200038;
	[tilespmem:$0x3B80] =	vst v63  }
0x3a: {  	s0 =	sand.u32 $0x1, s22;
	_ =	strace @!p2 $0x9000004A  }
0x3b: {  	s29 =	sadd.s32 $0x1, s0;
	_ =	strace $0x8000004B  }
0x3c: {  	_ =	swait.ge [sflag:s29], $0x500  }
0x3d: {  	[sflag:s29] =	ssyncset.done $0x0  }
0x3e: {  	[sflag:s29] =	ssyncadd.s32 $0xFFFFFB00  }
0x3f: {  	s30 =	sand.u32 $0x1, s20;
	_ =	strace $0x9000004B  }
0x40: {  	s31 =	sadd.s32 $0x3, s30;
	_ =	strace $0x8000004C  }
0x41: {  	_ =	swait.ge [sflag:s31], $0x500  }
0x42: {  	[sflag:s31] =	ssyncset.done $0x0  }
0x43: {  	[sflag:s31] =	ssyncadd.s32 $0xFFFFFB00  }
0x44: {  	s28 =	simm.s32 $0x500;
	p3 =	seq.s32 s0, $0x1;
	_ =	strace $0x9000004C  }
0x45: {  	s28 =	simm.s32 @!p3 $0x0;
	_ =	strace $0x8000004D  }
0x46: {  	v1 =	vld [tilespmem:s28+$0x2780]  }
0x47: {  	p3 =	seq.s32 s30, $0x1;
	s29 =	simm.s32 $0x500  }
0x48: {  	s29 =	simm.s32 @!p3 $0x0  }
0x49: {  	v2 =	vld [tilespmem:s29+$0x3180];
	_ =	sdelay $0x4  }
0x4a: {  	[tilespmem:v1+s3+$0x0] =	vst.idx.add.f32.msk $0xffff, v2  }
0x4b: {  	v1 =	vld [tilespmem:s28+$0x2790];
	_ =	sdelay $0x2  }
0x4c: {  	v2 =	vld [tilespmem:s29+$0x3190];
	_ =	sdelay $0x4  }
0x4d: {  	[tilespmem:v1+s3+$0x0] =	vst.idx.add.f32.msk $0xffff, v2  }
0x4e: {  	v1 =	vld [tilespmem:s28+$0x27A0];
	_ =	sdelay $0x2  }
0x4f: {  	v2 =	vld [tilespmem:s29+$0x31A0];
	_ =	sdelay $0x4  }
0x50: {  	[tilespmem:v1+s3+$0x0] =	vst.idx.add.f32.msk $0xffff, v2  }
0x51: {  	v1 =	vld [tilespmem:s28+$0x27B0];
	_ =	sdelay $0x2  }
0x52: {  	v2 =	vld [tilespmem:s29+$0x31B0];
	_ =	sdelay $0x4  }
0x53: {  	[tilespmem:v1+s3+$0x0] =	vst.idx.add.f32.msk $0xffff, v2  }
0x54: {  	v1 =	vld [tilespmem:s28+$0x27C0];
	_ =	sdelay $0x2  }
0x55: {  	v2 =	vld [tilespmem:s29+$0x31C0];
	_ =	sdelay $0x4  }
0x56: {  	[tilespmem:v1+s3+$0x0] =	vst.idx.add.f32.msk $0xffff, v2  }
0x57: {  	v1 =	vld [tilespmem:s28+$0x27D0];
	_ =	sdelay $0x2  }
0x58: {  	v2 =	vld [tilespmem:s29+$0x31D0];
	_ =	sdelay $0x4  }
0x59: {  	[tilespmem:v1+s3+$0x0] =	vst.idx.add.f32.msk $0xffff, v2  }
0x5a: {  	v1 =	vld [tilespmem:s28+$0x27E0];
	_ =	sdelay $0x2  }
0x5b: {  	v2 =	vld [tilespmem:s29+$0x31E0];
	_ =	sdelay $0x4  }
0x5c: {  	[tilespmem:v1+s3+$0x0] =	vst.idx.add.f32.msk $0xffff, v2  }
0x5d: {  	v1 =	vld [tilespmem:s28+$0x27F0];
	_ =	sdelay $0x2  }
0x5e: {  	v2 =	vld [tilespmem:s29+$0x31F0];
	_ =	sdelay $0x4  }
0x5f: {  	[tilespmem:v1+s3+$0x0] =	vst.idx.add.f32.msk $0xffff, v2  }
0x60: {  	v1 =	vld [tilespmem:s28+$0x2800];
	_ =	sdelay $0x2  }
0x61: {  	v2 =	vld [tilespmem:s29+$0x3200];
	_ =	sdelay $0x4  }
0x62: {  	[tilespmem:v1+s3+$0x0] =	vst.idx.add.f32.msk $0xffff, v2  }
0x63: {  	v1 =	vld [tilespmem:s28+$0x2810];
	_ =	sdelay $0x2  }
0x64: {  	v2 =	vld [tilespmem:s29+$0x3210];
	_ =	sdelay $0x4  }
0x65: {  	[tilespmem:v1+s3+$0x0] =	vst.idx.add.f32.msk $0xffff, v2  }
0x66: {  	v1 =	vld [tilespmem:s28+$0x2820];
	_ =	sdelay $0x2  }
0x67: {  	v2 =	vld [tilespmem:s29+$0x3220];
	_ =	sdelay $0x4  }
0x68: {  	[tilespmem:v1+s3+$0x0] =	vst.idx.add.f32.msk $0xffff, v2  }
0x69: {  	v1 =	vld [tilespmem:s28+$0x2830];
	_ =	sdelay $0x2  }
0x6a: {  	v2 =	vld [tilespmem:s29+$0x3230];
	_ =	sdelay $0x4  }
0x6b: {  	[tilespmem:v1+s3+$0x0] =	vst.idx.add.f32.msk $0xffff, v2  }
0x6c: {  	v1 =	vld [tilespmem:s28+$0x2840];
	_ =	sdelay $0x2  }
0x6d: {  	v2 =	vld [tilespmem:s29+$0x3240];
	_ =	sdelay $0x4  }
0x6e: {  	[tilespmem:v1+s3+$0x0] =	vst.idx.add.f32.msk $0xffff, v2  }
0x6f: {  	v1 =	vld [tilespmem:s28+$0x2850];
	_ =	sdelay $0x2  }
0x70: {  	v2 =	vld [tilespmem:s29+$0x3250];
	_ =	sdelay $0x4  }
0x71: {  	[tilespmem:v1+s3+$0x0] =	vst.idx.add.f32.msk $0xffff, v2  }
0x72: {  	v1 =	vld [tilespmem:s28+$0x2860];
	_ =	sdelay $0x2  }
0x73: {  	v2 =	vld [tilespmem:s29+$0x3260];
	_ =	sdelay $0x4  }
0x74: {  	[tilespmem:v1+s3+$0x0] =	vst.idx.add.f32.msk $0xffff, v2  }
0x75: {  	v1 =	vld [tilespmem:s28+$0x2870];
	_ =	sdelay $0x2  }
0x76: {  	v2 =	vld [tilespmem:s29+$0x3270];
	_ =	sdelay $0x4  }
0x77: {  	[tilespmem:v1+s3+$0x0] =	vst.idx.add.f32.msk $0xffff, v2  }
0x78: {  	v1 =	vld [tilespmem:s28+$0x2880];
	_ =	sdelay $0x2  }
0x79: {  	v2 =	vld [tilespmem:s29+$0x3280];
	_ =	sdelay $0x4  }
0x7a: {  	[tilespmem:v1+s3+$0x0] =	vst.idx.add.f32.msk $0xffff, v2  }
0x7b: {  	v1 =	vld [tilespmem:s28+$0x2890];
	_ =	sdelay $0x2  }
0x7c: {  	v2 =	vld [tilespmem:s29+$0x3290];
	_ =	sdelay $0x4  }
0x7d: {  	[tilespmem:v1+s3+$0x0] =	vst.idx.add.f32.msk $0xffff, v2  }
0x7e: {  	v1 =	vld [tilespmem:s28+$0x28A0];
	_ =	sdelay $0x2  }
0x7f: {  	v2 =	vld [tilespmem:s29+$0x32A0];
	_ =	sdelay $0x4  }
0x80: {  	[tilespmem:v1+s3+$0x0] =	vst.idx.add.f32.msk $0xffff, v2  }
0x81: {  	v1 =	vld [tilespmem:s28+$0x28B0];
	_ =	sdelay $0x2  }
0x82: {  	v2 =	vld [tilespmem:s29+$0x32B0];
	_ =	sdelay $0x4  }
0x83: {  	[tilespmem:v1+s3+$0x0] =	vst.idx.add.f32.msk $0xffff, v2  }
0x84: {  	v1 =	vld [tilespmem:s28+$0x28C0];
	_ =	sdelay $0x2  }
0x85: {  	v2 =	vld [tilespmem:s29+$0x32C0];
	_ =	sdelay $0x4  }
0x86: {  	[tilespmem:v1+s3+$0x0] =	vst.idx.add.f32.msk $0xffff, v2  }
0x87: {  	v1 =	vld [tilespmem:s28+$0x28D0];
	_ =	sdelay $0x2  }
0x88: {  	v2 =	vld [tilespmem:s29+$0x32D0];
	_ =	sdelay $0x4  }
0x89: {  	[tilespmem:v1+s3+$0x0] =	vst.idx.add.f32.msk $0xffff, v2  }
0x8a: {  	v1 =	vld [tilespmem:s28+$0x28E0];
	_ =	sdelay $0x2  }
0x8b: {  	v2 =	vld [tilespmem:s29+$0x32E0];
	_ =	sdelay $0x4  }
0x8c: {  	[tilespmem:v1+s3+$0x0] =	vst.idx.add.f32.msk $0xffff, v2  }
0x8d: {  	v1 =	vld [tilespmem:s28+$0x28F0];
	_ =	sdelay $0x2  }
0x8e: {  	v2 =	vld [tilespmem:s29+$0x32F0];
	_ =	sdelay $0x4  }
0x8f: {  	[tilespmem:v1+s3+$0x0] =	vst.idx.add.f32.msk $0xffff, v2  }
0x90: {  	v1 =	vld [tilespmem:s28+$0x2900];
	_ =	sdelay $0x2  }
0x91: {  	v2 =	vld [tilespmem:s29+$0x3300];
	_ =	sdelay $0x4  }
0x92: {  	[tilespmem:v1+s3+$0x0] =	vst.idx.add.f32.msk $0xffff, v2  }
0x93: {  	v1 =	vld [tilespmem:s28+$0x2910];
	_ =	sdelay $0x2  }
0x94: {  	v2 =	vld [tilespmem:s29+$0x3310];
	_ =	sdelay $0x4  }
0x95: {  	[tilespmem:v1+s3+$0x0] =	vst.idx.add.f32.msk $0xffff, v2  }
0x96: {  	v1 =	vld [tilespmem:s28+$0x2920];
	_ =	sdelay $0x2  }
0x97: {  	v2 =	vld [tilespmem:s29+$0x3320];
	_ =	sdelay $0x4  }
0x98: {  	[tilespmem:v1+s3+$0x0] =	vst.idx.add.f32.msk $0xffff, v2  }
0x99: {  	v1 =	vld [tilespmem:s28+$0x2930];
	_ =	sdelay $0x2  }
0x9a: {  	v2 =	vld [tilespmem:s29+$0x3330];
	_ =	sdelay $0x4  }
0x9b: {  	[tilespmem:v1+s3+$0x0] =	vst.idx.add.f32.msk $0xffff, v2  }
0x9c: {  	v1 =	vld [tilespmem:s28+$0x2940];
	_ =	sdelay $0x2  }
0x9d: {  	v2 =	vld [tilespmem:s29+$0x3340];
	_ =	sdelay $0x4  }
0x9e: {  	[tilespmem:v1+s3+$0x0] =	vst.idx.add.f32.msk $0xffff, v2  }
0x9f: {  	v1 =	vld [tilespmem:s28+$0x2950];
	_ =	sdelay $0x2  }
0xa0: {  	v2 =	vld [tilespmem:s29+$0x3350];
	_ =	sdelay $0x4  }
0xa1: {  	[tilespmem:v1+s3+$0x0] =	vst.idx.add.f32.msk $0xffff, v2  }
0xa2: {  	v1 =	vld [tilespmem:s28+$0x2960];
	_ =	sdelay $0x2  }
0xa3: {  	v2 =	vld [tilespmem:s29+$0x3360];
	_ =	sdelay $0x4  }
0xa4: {  	[tilespmem:v1+s3+$0x0] =	vst.idx.add.f32.msk $0xffff, v2  }
0xa5: {  	v1 =	vld [tilespmem:s28+$0x2970];
	_ =	sdelay $0x2  }
0xa6: {  	v2 =	vld [tilespmem:s29+$0x3370];
	_ =	sdelay $0x4  }
0xa7: {  	[tilespmem:v1+s3+$0x0] =	vst.idx.add.f32.msk $0xffff, v2  }
0xa8: {  	v1 =	vld [tilespmem:s28+$0x2980];
	_ =	sdelay $0x2  }
0xa9: {  	v2 =	vld [tilespmem:s29+$0x3380];
	_ =	sdelay $0x4  }
0xaa: {  	[tilespmem:v1+s3+$0x0] =	vst.idx.add.f32.msk $0xffff, v2  }
0xab: {  	v1 =	vld [tilespmem:s28+$0x2990];
	_ =	sdelay $0x2  }
0xac: {  	v2 =	vld [tilespmem:s29+$0x3390];
	_ =	sdelay $0x4  }
0xad: {  	[tilespmem:v1+s3+$0x0] =	vst.idx.add.f32.msk $0xffff, v2  }
0xae: {  	v1 =	vld [tilespmem:s28+$0x29A0];
	_ =	sdelay $0x2  }
0xaf: {  	v2 =	vld [tilespmem:s29+$0x33A0];
	_ =	sdelay $0x4  }
0xb0: {  	[tilespmem:v1+s3+$0x0] =	vst.idx.add.f32.msk $0xffff, v2  }
0xb1: {  	v1 =	vld [tilespmem:s28+$0x29B0];
	_ =	sdelay $0x2  }
0xb2: {  	v2 =	vld [tilespmem:s29+$0x33B0];
	_ =	sdelay $0x4  }
0xb3: {  	[tilespmem:v1+s3+$0x0] =	vst.idx.add.f32.msk $0xffff, v2  }
0xb4: {  	v1 =	vld [tilespmem:s28+$0x29C0];
	_ =	sdelay $0x2  }
0xb5: {  	v2 =	vld [tilespmem:s29+$0x33C0];
	_ =	sdelay $0x4  }
0xb6: {  	[tilespmem:v1+s3+$0x0] =	vst.idx.add.f32.msk $0xffff, v2  }
0xb7: {  	v1 =	vld [tilespmem:s28+$0x29D0];
	_ =	sdelay $0x2  }
0xb8: {  	v2 =	vld [tilespmem:s29+$0x33D0];
	_ =	sdelay $0x4  }
0xb9: {  	[tilespmem:v1+s3+$0x0] =	vst.idx.add.f32.msk $0xffff, v2  }
0xba: {  	v1 =	vld [tilespmem:s28+$0x29E0];
	_ =	sdelay $0x2  }
0xbb: {  	v2 =	vld [tilespmem:s29+$0x33E0];
	_ =	sdelay $0x4  }
0xbc: {  	[tilespmem:v1+s3+$0x0] =	vst.idx.add.f32.msk $0xffff, v2  }
0xbd: {  	v1 =	vld [tilespmem:s28+$0x29F0];
	_ =	sdelay $0x2  }
0xbe: {  	v2 =	vld [tilespmem:s29+$0x33F0];
	_ =	sdelay $0x4  }
0xbf: {  	[tilespmem:v1+s3+$0x0] =	vst.idx.add.f32.msk $0xffff, v2  }
0xc0: {  	v1 =	vld [tilespmem:s28+$0x2A00];
	_ =	sdelay $0x2  }
0xc1: {  	v2 =	vld [tilespmem:s29+$0x3400];
	_ =	sdelay $0x4  }
0xc2: {  	[tilespmem:v1+s3+$0x0] =	vst.idx.add.f32.msk $0xffff, v2  }
0xc3: {  	v1 =	vld [tilespmem:s28+$0x2A10];
	_ =	sdelay $0x2  }
0xc4: {  	v2 =	vld [tilespmem:s29+$0x3410];
	_ =	sdelay $0x4  }
0xc5: {  	[tilespmem:v1+s3+$0x0] =	vst.idx.add.f32.msk $0xffff, v2  }
0xc6: {  	v1 =	vld [tilespmem:s28+$0x2A20];
	_ =	sdelay $0x2  }
0xc7: {  	v2 =	vld [tilespmem:s29+$0x3420];
	_ =	sdelay $0x4  }
0xc8: {  	[tilespmem:v1+s3+$0x0] =	vst.idx.add.f32.msk $0xffff, v2  }
0xc9: {  	v1 =	vld [tilespmem:s28+$0x2A30];
	_ =	sdelay $0x2  }
0xca: {  	v2 =	vld [tilespmem:s29+$0x3430];
	_ =	sdelay $0x4  }
0xcb: {  	[tilespmem:v1+s3+$0x0] =	vst.idx.add.f32.msk $0xffff, v2  }
0xcc: {  	v1 =	vld [tilespmem:s28+$0x2A40];
	_ =	sdelay $0x2  }
0xcd: {  	v2 =	vld [tilespmem:s29+$0x3440];
	_ =	sdelay $0x4  }
0xce: {  	[tilespmem:v1+s3+$0x0] =	vst.idx.add.f32.msk $0xffff, v2  }
0xcf: {  	v1 =	vld [tilespmem:s28+$0x2A50];
	_ =	sdelay $0x2  }
0xd0: {  	v2 =	vld [tilespmem:s29+$0x3450];
	_ =	sdelay $0x4  }
0xd1: {  	[tilespmem:v1+s3+$0x0] =	vst.idx.add.f32.msk $0xffff, v2  }
0xd2: {  	v1 =	vld [tilespmem:s28+$0x2A60];
	_ =	sdelay $0x2  }
0xd3: {  	v2 =	vld [tilespmem:s29+$0x3460];
	_ =	sdelay $0x4  }
0xd4: {  	[tilespmem:v1+s3+$0x0] =	vst.idx.add.f32.msk $0xffff, v2  }
0xd5: {  	v1 =	vld [tilespmem:s28+$0x2A70];
	_ =	sdelay $0x2  }
0xd6: {  	v2 =	vld [tilespmem:s29+$0x3470];
	_ =	sdelay $0x4  }
0xd7: {  	[tilespmem:v1+s3+$0x0] =	vst.idx.add.f32.msk $0xffff, v2  }
0xd8: {  	v1 =	vld [tilespmem:s28+$0x2A80];
	_ =	sdelay $0x2  }
0xd9: {  	v2 =	vld [tilespmem:s29+$0x3480];
	_ =	sdelay $0x4  }
0xda: {  	[tilespmem:v1+s3+$0x0] =	vst.idx.add.f32.msk $0xffff, v2  }
0xdb: {  	v1 =	vld [tilespmem:s28+$0x2A90];
	_ =	sdelay $0x2  }
0xdc: {  	v2 =	vld [tilespmem:s29+$0x3490];
	_ =	sdelay $0x4  }
0xdd: {  	[tilespmem:v1+s3+$0x0] =	vst.idx.add.f32.msk $0xffff, v2  }
0xde: {  	v1 =	vld [tilespmem:s28+$0x2AA0];
	_ =	sdelay $0x2  }
0xdf: {  	v2 =	vld [tilespmem:s29+$0x34A0];
	_ =	sdelay $0x4  }
0xe0: {  	[tilespmem:v1+s3+$0x0] =	vst.idx.add.f32.msk $0xffff, v2  }
0xe1: {  	v1 =	vld [tilespmem:s28+$0x2AB0];
	_ =	sdelay $0x2  }
0xe2: {  	v2 =	vld [tilespmem:s29+$0x34B0];
	_ =	sdelay $0x4  }
0xe3: {  	[tilespmem:v1+s3+$0x0] =	vst.idx.add.f32.msk $0xffff, v2  }
0xe4: {  	v1 =	vld [tilespmem:s28+$0x2AC0];
	_ =	sdelay $0x2  }
0xe5: {  	v2 =	vld [tilespmem:s29+$0x34C0];
	_ =	sdelay $0x4  }
0xe6: {  	[tilespmem:v1+s3+$0x0] =	vst.idx.add.f32.msk $0xffff, v2  }
0xe7: {  	v1 =	vld [tilespmem:s28+$0x2AD0];
	_ =	sdelay $0x2  }
0xe8: {  	v2 =	vld [tilespmem:s29+$0x34D0];
	_ =	sdelay $0x4  }
0xe9: {  	[tilespmem:v1+s3+$0x0] =	vst.idx.add.f32.msk $0xffff, v2  }
0xea: {  	v1 =	vld [tilespmem:s28+$0x2AE0];
	_ =	sdelay $0x2  }
0xeb: {  	v2 =	vld [tilespmem:s29+$0x34E0];
	_ =	sdelay $0x4  }
0xec: {  	[tilespmem:v1+s3+$0x0] =	vst.idx.add.f32.msk $0xffff, v2  }
0xed: {  	v1 =	vld [tilespmem:s28+$0x2AF0];
	_ =	sdelay $0x2  }
0xee: {  	v2 =	vld [tilespmem:s29+$0x34F0];
	_ =	sdelay $0x4  }
0xef: {  	[tilespmem:v1+s3+$0x0] =	vst.idx.add.f32.msk $0xffff, v2  }
0xf0: {  	v1 =	vld [tilespmem:s28+$0x2B00];
	_ =	sdelay $0x2  }
0xf1: {  	v2 =	vld [tilespmem:s29+$0x3500];
	_ =	sdelay $0x4  }
0xf2: {  	[tilespmem:v1+s3+$0x0] =	vst.idx.add.f32.msk $0xffff, v2  }
0xf3: {  	v1 =	vld [tilespmem:s28+$0x2B10];
	_ =	sdelay $0x2  }
0xf4: {  	v2 =	vld [tilespmem:s29+$0x3510];
	_ =	sdelay $0x4  }
0xf5: {  	[tilespmem:v1+s3+$0x0] =	vst.idx.add.f32.msk $0xffff, v2  }
0xf6: {  	v1 =	vld [tilespmem:s28+$0x2B20];
	_ =	sdelay $0x2  }
0xf7: {  	v2 =	vld [tilespmem:s29+$0x3520];
	_ =	sdelay $0x4  }
0xf8: {  	[tilespmem:v1+s3+$0x0] =	vst.idx.add.f32.msk $0xffff, v2  }
0xf9: {  	v1 =	vld [tilespmem:s28+$0x2B30];
	_ =	sdelay $0x2  }
0xfa: {  	v2 =	vld [tilespmem:s29+$0x3530];
	_ =	sdelay $0x4  }
0xfb: {  	[tilespmem:v1+s3+$0x0] =	vst.idx.add.f32.msk $0xffff, v2  }
0xfc: {  	v1 =	vld [tilespmem:s28+$0x2B40];
	_ =	sdelay $0x2  }
0xfd: {  	v2 =	vld [tilespmem:s29+$0x3540];
	_ =	sdelay $0x4  }
0xfe: {  	[tilespmem:v1+s3+$0x0] =	vst.idx.add.f32.msk $0xffff, v2  }
0xff: {  	v1 =	vld [tilespmem:s28+$0x2B50];
	_ =	sdelay $0x2  }
0x100: {  	v2 =	vld [tilespmem:s29+$0x3550];
	_ =	sdelay $0x4  }
0x101: {  	[tilespmem:v1+s3+$0x0] =	vst.idx.add.f32.msk $0xffff, v2  }
0x102: {  	v1 =	vld [tilespmem:s28+$0x2B60];
	_ =	sdelay $0x2  }
0x103: {  	v2 =	vld [tilespmem:s29+$0x3560];
	_ =	sdelay $0x4  }
0x104: {  	[tilespmem:v1+s3+$0x0] =	vst.idx.add.f32.msk $0xffff, v2  }
0x105: {  	v1 =	vld [tilespmem:s28+$0x2B70];
	_ =	sdelay $0x2  }
0x106: {  	v2 =	vld [tilespmem:s29+$0x3570];
	_ =	sdelay $0x4  }
0x107: {  	[tilespmem:v1+s3+$0x0] =	vst.idx.add.f32.msk $0xffff, v2  }
0x108: {  	v1 =	vld [tilespmem:s28+$0x2B80];
	_ =	sdelay $0x2  }
0x109: {  	v2 =	vld [tilespmem:s29+$0x3580];
	_ =	sdelay $0x4  }
0x10a: {  	[tilespmem:v1+s3+$0x0] =	vst.idx.add.f32.msk $0xffff, v2  }
0x10b: {  	v1 =	vld [tilespmem:s28+$0x2B90];
	_ =	sdelay $0x2  }
0x10c: {  	v2 =	vld [tilespmem:s29+$0x3590];
	_ =	sdelay $0x4  }
0x10d: {  	[tilespmem:v1+s3+$0x0] =	vst.idx.add.f32.msk $0xffff, v2  }
0x10e: {  	v1 =	vld [tilespmem:s28+$0x2BA0];
	_ =	sdelay $0x2  }
0x10f: {  	v2 =	vld [tilespmem:s29+$0x35A0];
	_ =	sdelay $0x4  }
0x110: {  	[tilespmem:v1+s3+$0x0] =	vst.idx.add.f32.msk $0xffff, v2  }
0x111: {  	v1 =	vld [tilespmem:s28+$0x2BB0];
	_ =	sdelay $0x2  }
0x112: {  	v2 =	vld [tilespmem:s29+$0x35B0];
	_ =	sdelay $0x4  }
0x113: {  	[tilespmem:v1+s3+$0x0] =	vst.idx.add.f32.msk $0xffff, v2  }
0x114: {  	v1 =	vld [tilespmem:s28+$0x2BC0];
	_ =	sdelay $0x2  }
0x115: {  	v2 =	vld [tilespmem:s29+$0x35C0];
	_ =	sdelay $0x4  }
0x116: {  	[tilespmem:v1+s3+$0x0] =	vst.idx.add.f32.msk $0xffff, v2  }
0x117: {  	v1 =	vld [tilespmem:s28+$0x2BD0];
	_ =	sdelay $0x2  }
0x118: {  	v2 =	vld [tilespmem:s29+$0x35D0];
	_ =	sdelay $0x4  }
0x119: {  	[tilespmem:v1+s3+$0x0] =	vst.idx.add.f32.msk $0xffff, v2  }
0x11a: {  	v1 =	vld [tilespmem:s28+$0x2BE0];
	_ =	sdelay $0x2  }
0x11b: {  	v2 =	vld [tilespmem:s29+$0x35E0];
	_ =	sdelay $0x4  }
0x11c: {  	[tilespmem:v1+s3+$0x0] =	vst.idx.add.f32.msk $0xffff, v2  }
0x11d: {  	v1 =	vld [tilespmem:s28+$0x2BF0];
	_ =	sdelay $0x2  }
0x11e: {  	v2 =	vld [tilespmem:s29+$0x35F0];
	_ =	sdelay $0x4  }
0x11f: {  	[tilespmem:v1+s3+$0x0] =	vst.idx.add.f32.msk $0xffff, v2  }
0x120: {  	v1 =	vld [tilespmem:s28+$0x2C00];
	_ =	sdelay $0x2  }
0x121: {  	v2 =	vld [tilespmem:s29+$0x3600];
	_ =	sdelay $0x4  }
0x122: {  	[tilespmem:v1+s3+$0x0] =	vst.idx.add.f32.msk $0xffff, v2  }
0x123: {  	v1 =	vld [tilespmem:s28+$0x2C10];
	_ =	sdelay $0x2  }
0x124: {  	v2 =	vld [tilespmem:s29+$0x3610];
	_ =	sdelay $0x4  }
0x125: {  	[tilespmem:v1+s3+$0x0] =	vst.idx.add.f32.msk $0xffff, v2  }
0x126: {  	v1 =	vld [tilespmem:s28+$0x2C20];
	_ =	sdelay $0x2  }
0x127: {  	v2 =	vld [tilespmem:s29+$0x3620];
	_ =	sdelay $0x4  }
0x128: {  	[tilespmem:v1+s3+$0x0] =	vst.idx.add.f32.msk $0xffff, v2  }
0x129: {  	v1 =	vld [tilespmem:s28+$0x2C30];
	_ =	sdelay $0x2  }
0x12a: {  	v2 =	vld [tilespmem:s29+$0x3630];
	_ =	sdelay $0x4  }
0x12b: {  	[tilespmem:v1+s3+$0x0] =	vst.idx.add.f32.msk $0xffff, v2  }
0x12c: {  	v1 =	vld [tilespmem:s28+$0x2C40];
	_ =	sdelay $0x2  }
0x12d: {  	v2 =	vld [tilespmem:s29+$0x3640];
	_ =	sdelay $0x4  }
0x12e: {  	[tilespmem:v1+s3+$0x0] =	vst.idx.add.f32.msk $0xffff, v2  }
0x12f: {  	v1 =	vld [tilespmem:s28+$0x2C50];
	_ =	sdelay $0x2  }
0x130: {  	v2 =	vld [tilespmem:s29+$0x3650];
	_ =	sdelay $0x4  }
0x131: {  	[tilespmem:v1+s3+$0x0] =	vst.idx.add.f32.msk $0xffff, v2  }
0x132: {  	v1 =	vld [tilespmem:s28+$0x2C60];
	_ =	sdelay $0x2  }
0x133: {  	v2 =	vld [tilespmem:s29+$0x3660];
	_ =	sdelay $0x4  }
0x134: {  	[tilespmem:v1+s3+$0x0] =	vst.idx.add.f32.msk $0xffff, v2  }
0x135: {  	p6 =	seq.s32 s9, s23;
	p1 =	por !p1, p0;
	s0 =	sadd.s32 @!p2 $0x1, s25;
	v1 =	vld [tilespmem:s28+$0x2C70]  }
0x136: {  	s23 =	sadd.s32 $0x1, s23;
	s24 =	smov.u32 @p1 s0;
	s0 =	simm.s32 $0x0  }
0x137: {  	p5 =	sne.s32 s26, s19;
	s1 =	simm.s32 $0x1;
	s0 =	simm.s32 @p1 $0x1  }
0x138: {  	s24 =	smov.u32 @p0 s25;
	s0 =	simm.s32 @p0 $0x0;
	p0 =	por p6, p5;
	v2 =	vld [tilespmem:s29+$0x3670]  }
0x139: {  	s1 =	simm.s32 @!p0 $0x0;
	p0 =	sne.s32 s5, s23  }
.Ltmp1:
0x13a: {  	_ = 	snop;
	(pc) =	sbr.rel @p0 .LBB2_4-.Ltmp1, $3  }
0x13b: {  	_ =	sdelay $0x1  }
0x13c: {  	s25 =	smov.u32 s24;
	s21 =	sadd.s32 s21, s0;
	[tilespmem:v1+s3+$0x0] =	vst.idx.add.f32.msk $0xffff, v2  }
0x13d: {  	s22 =	sadd.s32 s1, s22;
	s20 =	sadd.s32 s1, s20;
	_ =	strace $0x9000004D  }
0x13e: {  	s18 =	sadd.s32 $0x1, s18  }
0x13f: {  	p0 =	sne.s32 s18, s11  }
.Ltmp2:
0x140: {  	_ = 	snop;
	(pc) =	sbr.rel @p0 .LBB2_1-.Ltmp2, $4  }
0x141: {  	[hbm4b:s10+s12] =	stream.strided.scatter [tilespmem:s3], [sflag:$0x1], $0x2780, s17, s12, $0x38;
	[tilespmem:$0x3B80] =	vst v63  }
0x142: {  	_ =	swait.ge [sflag:s16], $0x2780  }
0x143: {  	[sflag:s16] =	ssyncset.done $0x0  }
0x144: {  	[sflag:s16] =	ssyncadd.s32 $0xFFFFD880  }
0x145: {  	_ =	sfence.sel $0x180000  }
0x146: {  	[bflag:$0x0] =	sbarrier.arrive $0xFFFF  }
0x147: {  	_ =	strace $0x90000047  }
0x148: {  	s0 =	stileid.u32;
	[bflag:$0x2] =	sbarrier.arrive $0xFFFF  }
0x149: {  	p0 =	sne.s32 s0, $0x0;
	s0 =	rddreg [dreg:$0x3]  }
0x14a: {  	s0 =	sadd.s32 @!p0 $0x100000, s0  }
0x14b: {  	[sflag:s0] =	ssyncadd.tile.s32 @!p0 $0x1;
	_ =	shalt  }
.Lfunc_end2:
_tile_overlayer_lowered:
.L_overlay_start_2:
0x14c: {  	(tag) =	ssettag $0x2  }
0x14d: {  	s0 =	rddreg [dreg:$0x0];
	s2 =	stileid.u32  }
0x14e: {  	s1 =	rddreg [dreg:$0x1];
	p0 =	sne.s32 s2, $0x0  }
0x14f: {  	s3 =	rddreg [dreg:$0x2];
	[bflag:$0x3] =	sbarrier.arrive $0xFFFF;
	s2 =	simm.s32 @!p0 $0x1C01  }
0x150: {  	[timem:s3], [sflag:s2] =	dma.local @!p0 [hbm:s0], s1  }
0x151: {  	s0 =	simm.s32 @!p0 $0x1  }
0x152: {  	_ =	swait.ge @!p0 [sflag:s0], s1  }
0x153: {  	s1 =	ssub.s32 @!p0 $0x0, s1;
	[sflag:s0] =	ssyncset.done @!p0 $0x0  }
0x154: {  	[sflag:s0] =	ssyncadd.s32 @!p0 s1  }
0x155: {  	[bflag:$0x3] =	sbarrier.arrive $0xFFFF  }
0x156: {  	_ =	shalt  }

</sc_bundles>
